<compile_context>
chip_gen: v7x
topology: tpu7x:2x2x1
jax: 0.10.2.dev20260603
libtpu: 0.0.44.dev20260713+nightly
codegen_flags: <defaults>
</compile_context>

<pallas_src>
import functools

import jax
import jax.numpy as jnp
from jax import lax
from jax.experimental import pallas as pl
from jax.experimental.pallas import tpu as pltpu
from jax.experimental.pallas import tpu_sc as plsc

_SINGLES = (
    (8, 0), (22, 3), (36, 6), (17, 1), (31, 4), (26, 5),
    (7, 0), (14, 0), (21, 3), (28, 3), (35, 6), (42, 6),
    (9, 0), (44, 6), (18, 1), (39, 4), (27, 5), (34, 5),
)
_DOUBLES = (
    (16, 0, 1), (23, 1, 3), (30, 3, 4), (37, 4, 6), (25, 1, 5), (32, 5, 4),
    (1, 0, 0), (15, 3, 0), (29, 6, 3), (43, 6, 6), (10, 1, 1), (24, 4, 1),
    (38, 7, 4), (19, 5, 2), (33, 8, 5),
)

_NW = 32
_RB = 8
_CB = 128


@functools.cache
def _build(nb, nc):
    rows_per_w = nb // _NW
    col_blocks = nc // _CB
    n_chunks = (rows_per_w // _RB) * col_blocks
    assert n_chunks % 2 == 0
    mesh = plsc.VectorSubcoreMesh(core_axis_name="c", subcore_axis_name="s")

    @functools.partial(
        pl.kernel,
        mesh=mesh,
        compiler_params=pltpu.CompilerParams(needs_layout_passes=False),
        out_type=jax.ShapeDtypeStruct((49, nb, nc), jnp.float32),
        scratch_types=[
            pltpu.VMEM((2, 9, _RB, _CB), jnp.float32),
            pltpu.VMEM((2, 49, _RB, _CB), jnp.float32),
            pltpu.VMEM((9, _RB, _CB), jnp.float32),
            pltpu.SemaphoreType.DMA,
            pltpu.SemaphoreType.DMA,
            pltpu.SemaphoreType.DMA,
            pltpu.SemaphoreType.DMA,
            pltpu.SemaphoreType.DMA,
        ],
    )
    def depool(x_hbm, out_hbm, in_v, out_v, hdr_v,
               in_s0, in_s1, out_s0, out_s1, hdr_s):
        cid = lax.axis_index("c")
        sid = lax.axis_index("s")
        wid = sid * 2 + cid
        in_sems = (in_s0, in_s1)
        out_sems = (out_s0, out_s1)

        zero16 = jnp.zeros((16,), jnp.float32)

        def in_slice(c):
            rb, cb = c // col_blocks, c % col_blocks
            return x_hbm.at[:, pl.ds(wid * rows_per_w + rb * _RB, _RB),
                            pl.ds(cb * _CB, _CB)]

        def out_slice(c):
            rb, cb = c // col_blocks, c % col_blocks
            return out_hbm.at[:, pl.ds(wid * rows_per_w + rb * _RB, _RB),
                              pl.ds(cb * _CB, _CB)]

        hdr_slice = x_hbm.at[:, pl.ds(0, _RB), pl.ds(0, _CB)]
        pltpu.async_copy(hdr_slice, hdr_v, hdr_s)
        pltpu.async_copy(in_slice(0), in_v.at[0], in_sems[0])
        pltpu.async_copy(in_slice(1), in_v.at[1], in_sems[1])

        for buf in (0, 1):
            def zp(p, carry, buf=buf):
                def zr(r, rcarry):
                    def zc(cc, ccarry):
                        out_v[buf, p, r, pl.ds(cc * 16, 16)] = zero16
                        return ccarry
                    return lax.fori_loop(0, _CB // 16, zc, rcarry)
                return lax.fori_loop(0, _RB, zr, carry)
            lax.fori_loop(0, 49, zp, 0)

        pltpu.make_async_copy(hdr_slice, hdr_v, hdr_s).wait()
        z16 = jnp.full((16,), 0, jnp.int32)
        bq = [plsc.load_gather(hdr_v, [jnp.full((16,), q, jnp.int32), z16, z16])
              for q in range(9)]
        nz = [jnp.where(b != 0.0, jnp.float32(1.0), jnp.float32(0.0))
              for b in bq]
        scale = {p: 1.0 / jnp.maximum(nz[a] + nz[b], 1.0)
                 for p, a, b in _DOUBLES}

        def compute(buf):
            def row_body(r, rcarry):
                def col_body(cc, ccarry):
                    sl = pl.ds(cc * 16, 16)
                    xq = [in_v[buf, q, r, sl] for q in range(9)]
                    for p, q in _SINGLES:
                        out_v[buf, p, r, sl] = xq[q]
                    for p, a, b in _DOUBLES:
                        out_v[buf, p, r, sl] = (xq[a] + xq[b]) * scale[p]
                    return ccarry
                return lax.fori_loop(0, _CB // 16, col_body, rcarry)
            lax.fori_loop(0, _RB, row_body, 0)

        def pair_body(c2, carry):
            for buf in (0, 1):
                c = c2 * 2 + buf
                pltpu.make_async_copy(
                    in_slice(c), in_v.at[buf], in_sems[buf]).wait()

                @pl.when(c2 > 0)
                def _(buf=buf, c=c):
                    pltpu.make_async_copy(
                        out_v.at[buf], out_slice(c - 2), out_sems[buf]).wait()

                compute(buf)

                @pl.when(c + 2 < n_chunks)
                def _(buf=buf, c=c):
                    pltpu.async_copy(
                        in_slice(c + 2), in_v.at[buf], in_sems[buf])

                pltpu.async_copy(out_v.at[buf], out_slice(c), out_sems[buf])
            return carry
        lax.fori_loop(0, n_chunks // 2, pair_body, 0)

        pltpu.make_async_copy(
            out_v.at[0], out_slice(n_chunks - 2), out_sems[0]).wait()
        pltpu.make_async_copy(
            out_v.at[1], out_slice(n_chunks - 1), out_sems[1]).wait()

    return depool


def kernel(input):
    b, c, h, w = input.shape
    x3 = input.transpose(2, 3, 0, 1).reshape(h * w, b, c)
    out3 = _build(b, c)(x3)
    return out3.reshape(7, 7, b, c).transpose(2, 3, 0, 1)

# --- scband reference (transcript-rebuilt; emitter-appended) ---
"""Pipeline reference for scband-first-depooling-48636209660360 (READ-ONLY COPY).

The authoritative reference and input builder live on the scoring server;
editing this copy changes nothing except your own understanding.
"""

import jax, jax.numpy as jnp
import numpy as np

HP, WP = 7, 7
H_IN, W_IN = 3, 3

base = np.array([[1, 1], [3, 1], [5, 1], [2, 3], [4, 3], [3, 5]], dtype=np.int64)
mapto = np.floor(base / 2).astype(np.int64)
mapto[:, 0] -= mapto[:, 1] % 2

evencc = np.array([[1, 0], [2, 0], [3, 0], [4, 0], [5, 0], [6, 0],
                   [1, 2], [2, 2], [3, 2], [4, 2], [5, 2], [6, 2],
                   [2, 4], [3, 4], [4, 4], [5, 4], [3, 6], [4, 6]], dtype=np.int64)
evencc_avg = np.array([[[ii - 1, max(jj - 1, 0)], [ii - 1, min(jj + 1, WP - 1)],
                        [ii, max(jj - 1, 0)], [ii, min(jj + 1, WP - 1)]]
                       for ii, jj in evencc], dtype=np.int64)

unevencc = np.array([[0, 1], [2, 1], [4, 1], [6, 1], [1, 3], [3, 3], [5, 3], [2, 5], [4, 5]], dtype=np.int64)
uneven_half = (unevencc // 2).astype(np.int64)


def setup_inputs(seed: int = 0) -> dict:
    key = jax.random.key(seed)
    x = jax.random.normal(key, (4096, 256, 3, 3), dtype=jnp.float32)
    return {"input": x}


def reference(input) -> jnp.ndarray:
    B, C = input.shape[0], input.shape[1]
    data_out = jnp.zeros((B, C, HP, WP), dtype=input.dtype)
    # scatter base vertices from the coarse grid
    data_out = data_out.at[:, :, base[:, 0], base[:, 1]].set(
        input[:, :, mapto[:, 0], mapto[:, 1]])
    # even-cc vertices: average of up to 4 neighbors gathered from data_out
    tmp = jnp.stack([data_out[:, :, evencc_avg[:, ii, 0], evencc_avg[:, ii, 1]] for ii in range(4)])
    tmp2 = tmp.sum(axis=0)
    cnt = jnp.sum(tmp[:, 0, 0] != 0, axis=0)  # counts from batch 0, channel 0 (faithful to torch)
    data_out = data_out.at[:, :, evencc[:, 0], evencc[:, 1]].set(
        tmp2 / jnp.maximum(cnt, 1))
    # uneven-cc vertices: average of two clamped gathers from the coarse input
    r0 = jnp.minimum(uneven_half[:, 0], H_IN - 1)
    r1 = jnp.maximum(uneven_half[:, 0] - 1, 0)
    tmpu = jnp.stack([input[:, :, r0, uneven_half[:, 1]],
                      input[:, :, r1, uneven_half[:, 1]]])
    tmpu2 = tmpu.sum(axis=0)
    cntu = jnp.sum(tmpu[:, 0, 0] != 0, axis=0)
    data_out = data_out.at[:, :, unevencc[:, 0], unevencc[:, 1]].set(
        tmpu2 / jnp.maximum(cntu, 1))
    return data_out

if __name__ == "__main__":
    import jax
    _d = setup_inputs()
    print(jax.jit(kernel)(*tuple(_d.values())))

</pallas_src>

<mosaic_0001>
#map = affine_map<(d0, d1) -> (0, 0, 0)>
module attributes {stable_mosaic.version = 14 : i64} {
  func.func @depool(%arg0: i32, %arg1: i32, %arg2: memref<9x4096x256xf32, #tpu.memory_space<hbm>>, %arg3: memref<49x4096x256xf32, #tpu.memory_space<hbm>>, %arg4: memref<2x9x8x128xf32, #tpu.memory_space<vmem>>, %arg5: memref<2x49x8x128xf32, #tpu.memory_space<vmem>>, %arg6: memref<9x8x128xf32, #tpu.memory_space<vmem>>, %arg7: memref<!tpu.dma_semaphore, #tpu.memory_space<semaphore_mem>>, %arg8: memref<!tpu.dma_semaphore, #tpu.memory_space<semaphore_mem>>, %arg9: memref<!tpu.dma_semaphore, #tpu.memory_space<semaphore_mem>>, %arg10: memref<!tpu.dma_semaphore, #tpu.memory_space<semaphore_mem>>, %arg11: memref<!tpu.dma_semaphore, #tpu.memory_space<semaphore_mem>>) attributes {dimension_semantics = [#tpu.dimension_semantics<core_parallel>, #tpu.dimension_semantics<subcore_parallel>], iteration_bounds = array<i64: 2, 16>, scalar_prefetch = 0 : i64, scratch_operands = 8 : i64, tpu.core_type = #tpu.core_type<sc_vector_subcore>, window_params = [{transform_indices = #map}, {transform_indices = #map}]} {
    %mul3A = arith.constant 2 : i32
    %mul3A_0 = arith.muli %arg1, %mul3A : i32
    %add3A = arith.addi %mul3A_0, %arg0 : i32
    %broadcast_in_dim3A = arith.constant 0.000000e+00 : f32
    %broadcast_in_dim3A_1 = vector.broadcast %broadcast_in_dim3A : f32 to vector<16xf32>
    %dma_start3A = arith.constant 0 : i32
    %dma_start3A_2 = arith.constant 0 : i32
    %dma_start3A_3 = arith.constant 0 : i32
    %dma_start3A_4 = tpu.memref_slice %arg2[%dma_start3A, %dma_start3A_2, %dma_start3A_3] : memref<9x4096x256xf32, #tpu.memory_space<hbm>> -> memref<9x8x128xf32, #tpu.memory_space<hbm>>
    %dma_start3A_5 = arith.constant 0 : i32
    %dma_start3A_6 = arith.constant 0 : i32
    %dma_start3A_7 = arith.constant 0 : i32
    %dma_start3A_8 = tpu.memref_slice %arg2[%dma_start3A_5, %dma_start3A_6, %dma_start3A_7] : memref<9x4096x256xf32, #tpu.memory_space<hbm>> -> memref<9x8x128xf32, #tpu.memory_space<hbm>>
    tpu.enqueue_dma source(%dma_start3A_8 : memref<9x8x128xf32, #tpu.memory_space<hbm>>) target(%arg6 : memref<9x8x128xf32, #tpu.memory_space<vmem>>) target_semaphore(%arg11 : memref<!tpu.dma_semaphore, #tpu.memory_space<semaphore_mem>>)
    %mul3A_9 = arith.constant 128 : i32
    %mul3A_10 = arith.muli %add3A, %mul3A_9 : i32
    %add3A_11 = arith.constant 0 : i32
    %add3A_12 = arith.addi %mul3A_10, %add3A_11 : i32
    %dma_start3A_13 = arith.constant 0 : i32
    %dma_start3A_14 = arith.constant 0 : i32
    %dma_start3A_15 = arith.constant 0 : i32
    %dma_start3A_16 = arith.constant 0 : i32
    %dma_start3A_17 = tpu.memref_slice %arg4[%dma_start3A_13, %dma_start3A_14, %dma_start3A_15, %dma_start3A_16] : memref<2x9x8x128xf32, #tpu.memory_space<vmem>> -> memref<1x9x8x128xf32, #tpu.memory_space<vmem>>
    %dma_start3A_18 = tpu.memref_squeeze %dma_start3A_17 : memref<1x9x8x128xf32, #tpu.memory_space<vmem>> -> memref<9x8x128xf32, #tpu.memory_space<vmem>>
    %dma_start3A_19 = arith.constant 0 : i32
    %dma_start3A_20 = arith.constant 0 : i32
    %dma_start3A_21 = tpu.memref_slice %arg2[%dma_start3A_19, %add3A_12, %dma_start3A_20] : memref<9x4096x256xf32, #tpu.memory_space<hbm>> -> memref<9x8x128xf32, #tpu.memory_space<hbm>>
    %dma_start3A_22 = arith.constant 0 : i32
    %dma_start3A_23 = arith.constant 0 : i32
    %dma_start3A_24 = arith.constant 0 : i32
    %dma_start3A_25 = tpu.memref_slice %arg4[%dma_start3A_13, %dma_start3A_22, %dma_start3A_23, %dma_start3A_24] : memref<2x9x8x128xf32, #tpu.memory_space<vmem>> -> memref<1x9x8x128xf32, #tpu.memory_space<vmem>>
    %dma_start3A_26 = tpu.memref_squeeze %dma_start3A_25 : memref<1x9x8x128xf32, #tpu.memory_space<vmem>> -> memref<9x8x128xf32, #tpu.memory_space<vmem>>
    %dma_start3A_27 = arith.constant 0 : i32
    %dma_start3A_28 = arith.constant 0 : i32
    %dma_start3A_29 = tpu.memref_slice %arg2[%dma_start3A_27, %add3A_12, %dma_start3A_28] : memref<9x4096x256xf32, #tpu.memory_space<hbm>> -> memref<9x8x128xf32, #tpu.memory_space<hbm>>
    tpu.enqueue_dma source(%dma_start3A_29 : memref<9x8x128xf32, #tpu.memory_space<hbm>>) target(%dma_start3A_26 : memref<9x8x128xf32, #tpu.memory_space<vmem>>) target_semaphore(%arg7 : memref<!tpu.dma_semaphore, #tpu.memory_space<semaphore_mem>>)
    %mul3A_30 = arith.constant 128 : i32
    %mul3A_31 = arith.muli %add3A, %mul3A_30 : i32
    %add3A_32 = arith.constant 0 : i32
    %add3A_33 = arith.addi %mul3A_31, %add3A_32 : i32
    %dma_start3A_34 = arith.constant 1 : i32
    %dma_start3A_35 = arith.constant 0 : i32
    %dma_start3A_36 = arith.constant 0 : i32
    %dma_start3A_37 = arith.constant 0 : i32
    %dma_start3A_38 = tpu.memref_slice %arg4[%dma_start3A_34, %dma_start3A_35, %dma_start3A_36, %dma_start3A_37] : memref<2x9x8x128xf32, #tpu.memory_space<vmem>> -> memref<1x9x8x128xf32, #tpu.memory_space<vmem>>
    %dma_start3A_39 = tpu.memref_squeeze %dma_start3A_38 : memref<1x9x8x128xf32, #tpu.memory_space<vmem>> -> memref<9x8x128xf32, #tpu.memory_space<vmem>>
    %dma_start3A_40 = arith.constant 0 : i32
    %dma_start3A_41 = arith.constant 128 : i32
    %dma_start3A_42 = tpu.memref_slice %arg2[%dma_start3A_40, %add3A_33, %dma_start3A_41] : memref<9x4096x256xf32, #tpu.memory_space<hbm>> -> memref<9x8x128xf32, #tpu.memory_space<hbm>>
    %dma_start3A_43 = arith.constant 0 : i32
    %dma_start3A_44 = arith.constant 0 : i32
    %dma_start3A_45 = arith.constant 0 : i32
    %dma_start3A_46 = tpu.memref_slice %arg4[%dma_start3A_34, %dma_start3A_43, %dma_start3A_44, %dma_start3A_45] : memref<2x9x8x128xf32, #tpu.memory_space<vmem>> -> memref<1x9x8x128xf32, #tpu.memory_space<vmem>>
    %dma_start3A_47 = tpu.memref_squeeze %dma_start3A_46 : memref<1x9x8x128xf32, #tpu.memory_space<vmem>> -> memref<9x8x128xf32, #tpu.memory_space<vmem>>
    %dma_start3A_48 = arith.constant 0 : i32
    %dma_start3A_49 = arith.constant 128 : i32
    %dma_start3A_50 = tpu.memref_slice %arg2[%dma_start3A_48, %add3A_33, %dma_start3A_49] : memref<9x4096x256xf32, #tpu.memory_space<hbm>> -> memref<9x8x128xf32, #tpu.memory_space<hbm>>
    tpu.enqueue_dma source(%dma_start3A_50 : memref<9x8x128xf32, #tpu.memory_space<hbm>>) target(%dma_start3A_47 : memref<9x8x128xf32, #tpu.memory_space<vmem>>) target_semaphore(%arg8 : memref<!tpu.dma_semaphore, #tpu.memory_space<semaphore_mem>>)
    %scan3A = arith.constant 0 : i32
    %scan3A_51 = arith.constant 0 : i32
    %scan3A_52 = arith.constant 49 : i32
    %scan3A_53 = arith.addi %scan3A_51, %scan3A_52 : i32
    %scan3A_54 = arith.constant 1 : i32
    scf.for %scan3A_317 = %scan3A_51 to %scan3A_53 step %scan3A_54  : i32 {
      %scan3A_318 = arith.constant 0 : i32
      %scan3A_319 = arith.constant 8 : i32
      %scan3A_320 = arith.addi %scan3A_318, %scan3A_319 : i32
      %scan3A_321 = arith.constant 1 : i32
      scf.for %scan3A_323 = %scan3A_318 to %scan3A_320 step %scan3A_321  : i32 {
        %scan3A_324 = arith.constant 0 : i32
        %scan3A_325 = arith.constant 8 : i32
        %scan3A_326 = arith.addi %scan3A_324, %scan3A_325 : i32
        %scan3A_327 = arith.constant 1 : i32
        scf.for %scan3A_329 = %scan3A_324 to %scan3A_326 step %scan3A_327  : i32 {
          %mul3A_330 = arith.constant 16 : i32
          %mul3A_331 = arith.muli %scan3A_329, %mul3A_330 : i32
          %swap3A = arith.constant 0 : i32
          %swap3A_332 = arith.index_cast %swap3A : i32 to index
          %swap3A_333 = arith.index_cast %scan3A_317 : i32 to index
          %swap3A_334 = arith.index_cast %scan3A_323 : i32 to index
          %swap3A_335 = arith.index_cast %mul3A_331 : i32 to index
          %swap3A_336 = tpu.vector_load %arg5[%swap3A_332, %swap3A_333, %swap3A_334, %swap3A_335] {strides = array<i32>} : memref<2x49x8x128xf32, #tpu.memory_space<vmem>>, vector<16xf32>,
          tpu.vector_store %arg5[%swap3A_332, %swap3A_333, %swap3A_334, %swap3A_335], %broadcast_in_dim3A_1 {strides = array<i32>} : memref<2x49x8x128xf32, #tpu.memory_space<vmem>>, vector<16xf32>,
        }
        %scan3A_328 = arith.constant 8 : i32
      }
      %scan3A_322 = arith.constant 8 : i32
    }
    %scan3A_55 = arith.constant 49 : i32
    %scan3A_56 = arith.constant 0 : i32
    %scan3A_57 = arith.constant 0 : i32
    %scan3A_58 = arith.constant 49 : i32
    %scan3A_59 = arith.addi %scan3A_57, %scan3A_58 : i32
    %scan3A_60 = arith.constant 1 : i32
    scf.for %scan3A_317 = %scan3A_57 to %scan3A_59 step %scan3A_60  : i32 {
      %scan3A_318 = arith.constant 0 : i32
      %scan3A_319 = arith.constant 8 : i32
      %scan3A_320 = arith.addi %scan3A_318, %scan3A_319 : i32
      %scan3A_321 = arith.constant 1 : i32
      scf.for %scan3A_323 = %scan3A_318 to %scan3A_320 step %scan3A_321  : i32 {
        %scan3A_324 = arith.constant 0 : i32
        %scan3A_325 = arith.constant 8 : i32
        %scan3A_326 = arith.addi %scan3A_324, %scan3A_325 : i32
        %scan3A_327 = arith.constant 1 : i32
        scf.for %scan3A_329 = %scan3A_324 to %scan3A_326 step %scan3A_327  : i32 {
          %mul3A_330 = arith.constant 16 : i32
          %mul3A_331 = arith.muli %scan3A_329, %mul3A_330 : i32
          %swap3A = arith.constant 1 : i32
          %swap3A_332 = arith.index_cast %swap3A : i32 to index
          %swap3A_333 = arith.index_cast %scan3A_317 : i32 to index
          %swap3A_334 = arith.index_cast %scan3A_323 : i32 to index
          %swap3A_335 = arith.index_cast %mul3A_331 : i32 to index
          %swap3A_336 = tpu.vector_load %arg5[%swap3A_332, %swap3A_333, %swap3A_334, %swap3A_335] {strides = array<i32>} : memref<2x49x8x128xf32, #tpu.memory_space<vmem>>, vector<16xf32>,
          tpu.vector_store %arg5[%swap3A_332, %swap3A_333, %swap3A_334, %swap3A_335], %broadcast_in_dim3A_1 {strides = array<i32>} : memref<2x49x8x128xf32, #tpu.memory_space<vmem>>, vector<16xf32>,
        }
        %scan3A_328 = arith.constant 8 : i32
      }
      %scan3A_322 = arith.constant 8 : i32
    }
    %scan3A_61 = arith.constant 49 : i32
    %dma_wait3A = arith.constant 0 : i32
    %dma_wait3A_62 = arith.constant 0 : i32
    %dma_wait3A_63 = arith.constant 0 : i32
    %dma_wait3A_64 = tpu.memref_slice %arg2[%dma_wait3A, %dma_wait3A_62, %dma_wait3A_63] : memref<9x4096x256xf32, #tpu.memory_space<hbm>> -> memref<9x8x128xf32, #tpu.memory_space<hbm>>
    %dma_wait3A_65 = arith.constant 0 : i32
    %dma_wait3A_66 = arith.constant 0 : i32
    %dma_wait3A_67 = arith.constant 0 : i32
    %dma_wait3A_68 = tpu.memref_slice %arg2[%dma_wait3A_65, %dma_wait3A_66, %dma_wait3A_67] : memref<9x4096x256xf32, #tpu.memory_space<hbm>> -> memref<9x8x128xf32, #tpu.memory_space<hbm>>
    tpu.wait_dma2 semaphore(%arg11 : memref<!tpu.dma_semaphore, #tpu.memory_space<semaphore_mem>>) src(%dma_wait3A_68 : memref<9x8x128xf32, #tpu.memory_space<hbm>>) dst(%arg6 : memref<9x8x128xf32, #tpu.memory_space<vmem>>)
    %broadcast_in_dim3A_69 = arith.constant 0 : i32
    %broadcast_in_dim3A_70 = vector.broadcast %broadcast_in_dim3A_69 : i32 to vector<16xi32>
    %broadcast_in_dim3A_71 = arith.constant 0 : i32
    %broadcast_in_dim3A_72 = vector.broadcast %broadcast_in_dim3A_71 : i32 to vector<16xi32>
    %gather3A = tpu.vector_load_idx %arg6[%broadcast_in_dim3A_72, %broadcast_in_dim3A_70, %broadcast_in_dim3A_70] : memref<9x8x128xf32, #tpu.memory_space<vmem>>[vector<16xi32>, vector<16xi32>, vector<16xi32>], vector<16xf32>,
    %broadcast_in_dim3A_73 = arith.constant 1 : i32
    %broadcast_in_dim3A_74 = vector.broadcast %broadcast_in_dim3A_73 : i32 to vector<16xi32>
    %gather3A_75 = tpu.vector_load_idx %arg6[%broadcast_in_dim3A_74, %broadcast_in_dim3A_70, %broadcast_in_dim3A_70] : memref<9x8x128xf32, #tpu.memory_space<vmem>>[vector<16xi32>, vector<16xi32>, vector<16xi32>], vector<16xf32>,
    %broadcast_in_dim3A_76 = arith.constant 2 : i32
    %broadcast_in_dim3A_77 = vector.broadcast %broadcast_in_dim3A_76 : i32 to vector<16xi32>
    %gather3A_78 = tpu.vector_load_idx %arg6[%broadcast_in_dim3A_77, %broadcast_in_dim3A_70, %broadcast_in_dim3A_70] : memref<9x8x128xf32, #tpu.memory_space<vmem>>[vector<16xi32>, vector<16xi32>, vector<16xi32>], vector<16xf32>,
    %broadcast_in_dim3A_79 = arith.constant 3 : i32
    %broadcast_in_dim3A_80 = vector.broadcast %broadcast_in_dim3A_79 : i32 to vector<16xi32>
    %gather3A_81 = tpu.vector_load_idx %arg6[%broadcast_in_dim3A_80, %broadcast_in_dim3A_70, %broadcast_in_dim3A_70] : memref<9x8x128xf32, #tpu.memory_space<vmem>>[vector<16xi32>, vector<16xi32>, vector<16xi32>], vector<16xf32>,
    %broadcast_in_dim3A_82 = arith.constant 4 : i32
    %broadcast_in_dim3A_83 = vector.broadcast %broadcast_in_dim3A_82 : i32 to vector<16xi32>
    %gather3A_84 = tpu.vector_load_idx %arg6[%broadcast_in_dim3A_83, %broadcast_in_dim3A_70, %broadcast_in_dim3A_70] : memref<9x8x128xf32, #tpu.memory_space<vmem>>[vector<16xi32>, vector<16xi32>, vector<16xi32>], vector<16xf32>,
    %broadcast_in_dim3A_85 = arith.constant 5 : i32
    %broadcast_in_dim3A_86 = vector.broadcast %broadcast_in_dim3A_85 : i32 to vector<16xi32>
    %gather3A_87 = tpu.vector_load_idx %arg6[%broadcast_in_dim3A_86, %broadcast_in_dim3A_70, %broadcast_in_dim3A_70] : memref<9x8x128xf32, #tpu.memory_space<vmem>>[vector<16xi32>, vector<16xi32>, vector<16xi32>], vector<16xf32>,
    %broadcast_in_dim3A_88 = arith.constant 6 : i32
    %broadcast_in_dim3A_89 = vector.broadcast %broadcast_in_dim3A_88 : i32 to vector<16xi32>
    %gather3A_90 = tpu.vector_load_idx %arg6[%broadcast_in_dim3A_89, %broadcast_in_dim3A_70, %broadcast_in_dim3A_70] : memref<9x8x128xf32, #tpu.memory_space<vmem>>[vector<16xi32>, vector<16xi32>, vector<16xi32>], vector<16xf32>,
    %broadcast_in_dim3A_91 = arith.constant 7 : i32
    %broadcast_in_dim3A_92 = vector.broadcast %broadcast_in_dim3A_91 : i32 to vector<16xi32>
    %gather3A_93 = tpu.vector_load_idx %arg6[%broadcast_in_dim3A_92, %broadcast_in_dim3A_70, %broadcast_in_dim3A_70] : memref<9x8x128xf32, #tpu.memory_space<vmem>>[vector<16xi32>, vector<16xi32>, vector<16xi32>], vector<16xf32>,
    %broadcast_in_dim3A_94 = arith.constant 8 : i32
    %broadcast_in_dim3A_95 = vector.broadcast %broadcast_in_dim3A_94 : i32 to vector<16xi32>
    %gather3A_96 = tpu.vector_load_idx %arg6[%broadcast_in_dim3A_95, %broadcast_in_dim3A_70, %broadcast_in_dim3A_70] : memref<9x8x128xf32, #tpu.memory_space<vmem>>[vector<16xi32>, vector<16xi32>, vector<16xi32>], vector<16xf32>,
    %ne3A = arith.constant 0.000000e+00 : f32
    %ne3A_97 = vector.broadcast %ne3A : f32 to vector<16xf32>
    %ne3A_98 = arith.cmpf one, %gather3A, %ne3A_97 : vector<16xf32>
    %jit3A = arith.constant 1.000000e+00 : f32
    %jit3A_99 = arith.constant 0.000000e+00 : f32
    %broadcast_in_dim3A_100 = vector.broadcast %jit3A : f32 to vector<16xf32>
    %broadcast_in_dim3A_101 = vector.broadcast %jit3A_99 : f32 to vector<16xf32>
    %select_n3A = arith.select %ne3A_98, %broadcast_in_dim3A_100, %broadcast_in_dim3A_101 : vector<16xi1>, vector<16xf32>
    %ne3A_102 = arith.constant 0.000000e+00 : f32
    %ne3A_103 = vector.broadcast %ne3A_102 : f32 to vector<16xf32>
    %ne3A_104 = arith.cmpf one, %gather3A_75, %ne3A_103 : vector<16xf32>
    %jit3A_105 = arith.constant 1.000000e+00 : f32
    %jit3A_106 = arith.constant 0.000000e+00 : f32
    %broadcast_in_dim3A_107 = vector.broadcast %jit3A_105 : f32 to vector<16xf32>
    %broadcast_in_dim3A_108 = vector.broadcast %jit3A_106 : f32 to vector<16xf32>
    %select_n3A_109 = arith.select %ne3A_104, %broadcast_in_dim3A_107, %broadcast_in_dim3A_108 : vector<16xi1>, vector<16xf32>
    %ne3A_110 = arith.constant 0.000000e+00 : f32
    %ne3A_111 = vector.broadcast %ne3A_110 : f32 to vector<16xf32>
    %ne3A_112 = arith.cmpf one, %gather3A_78, %ne3A_111 : vector<16xf32>
    %jit3A_113 = arith.constant 1.000000e+00 : f32
    %jit3A_114 = arith.constant 0.000000e+00 : f32
    %broadcast_in_dim3A_115 = vector.broadcast %jit3A_113 : f32 to vector<16xf32>
    %broadcast_in_dim3A_116 = vector.broadcast %jit3A_114 : f32 to vector<16xf32>
    %select_n3A_117 = arith.select %ne3A_112, %broadcast_in_dim3A_115, %broadcast_in_dim3A_116 : vector<16xi1>, vector<16xf32>
    %ne3A_118 = arith.constant 0.000000e+00 : f32
    %ne3A_119 = vector.broadcast %ne3A_118 : f32 to vector<16xf32>
    %ne3A_120 = arith.cmpf one, %gather3A_81, %ne3A_119 : vector<16xf32>
    %jit3A_121 = arith.constant 1.000000e+00 : f32
    %jit3A_122 = arith.constant 0.000000e+00 : f32
    %broadcast_in_dim3A_123 = vector.broadcast %jit3A_121 : f32 to vector<16xf32>
    %broadcast_in_dim3A_124 = vector.broadcast %jit3A_122 : f32 to vector<16xf32>
    %select_n3A_125 = arith.select %ne3A_120, %broadcast_in_dim3A_123, %broadcast_in_dim3A_124 : vector<16xi1>, vector<16xf32>
    %ne3A_126 = arith.constant 0.000000e+00 : f32
    %ne3A_127 = vector.broadcast %ne3A_126 : f32 to vector<16xf32>
    %ne3A_128 = arith.cmpf one, %gather3A_84, %ne3A_127 : vector<16xf32>
    %jit3A_129 = arith.constant 1.000000e+00 : f32
    %jit3A_130 = arith.constant 0.000000e+00 : f32
    %broadcast_in_dim3A_131 = vector.broadcast %jit3A_129 : f32 to vector<16xf32>
    %broadcast_in_dim3A_132 = vector.broadcast %jit3A_130 : f32 to vector<16xf32>
    %select_n3A_133 = arith.select %ne3A_128, %broadcast_in_dim3A_131, %broadcast_in_dim3A_132 : vector<16xi1>, vector<16xf32>
    %ne3A_134 = arith.constant 0.000000e+00 : f32
    %ne3A_135 = vector.broadcast %ne3A_134 : f32 to vector<16xf32>
    %ne3A_136 = arith.cmpf one, %gather3A_87, %ne3A_135 : vector<16xf32>
    %jit3A_137 = arith.constant 1.000000e+00 : f32
    %jit3A_138 = arith.constant 0.000000e+00 : f32
    %broadcast_in_dim3A_139 = vector.broadcast %jit3A_137 : f32 to vector<16xf32>
    %broadcast_in_dim3A_140 = vector.broadcast %jit3A_138 : f32 to vector<16xf32>
    %select_n3A_141 = arith.select %ne3A_136, %broadcast_in_dim3A_139, %broadcast_in_dim3A_140 : vector<16xi1>, vector<16xf32>
    %ne3A_142 = arith.constant 0.000000e+00 : f32
    %ne3A_143 = vector.broadcast %ne3A_142 : f32 to vector<16xf32>
    %ne3A_144 = arith.cmpf one, %gather3A_90, %ne3A_143 : vector<16xf32>
    %jit3A_145 = arith.constant 1.000000e+00 : f32
    %jit3A_146 = arith.constant 0.000000e+00 : f32
    %broadcast_in_dim3A_147 = vector.broadcast %jit3A_145 : f32 to vector<16xf32>
    %broadcast_in_dim3A_148 = vector.broadcast %jit3A_146 : f32 to vector<16xf32>
    %select_n3A_149 = arith.select %ne3A_144, %broadcast_in_dim3A_147, %broadcast_in_dim3A_148 : vector<16xi1>, vector<16xf32>
    %ne3A_150 = arith.constant 0.000000e+00 : f32
    %ne3A_151 = vector.broadcast %ne3A_150 : f32 to vector<16xf32>
    %ne3A_152 = arith.cmpf one, %gather3A_93, %ne3A_151 : vector<16xf32>
    %jit3A_153 = arith.constant 1.000000e+00 : f32
    %jit3A_154 = arith.constant 0.000000e+00 : f32
    %broadcast_in_dim3A_155 = vector.broadcast %jit3A_153 : f32 to vector<16xf32>
    %broadcast_in_dim3A_156 = vector.broadcast %jit3A_154 : f32 to vector<16xf32>
    %select_n3A_157 = arith.select %ne3A_152, %broadcast_in_dim3A_155, %broadcast_in_dim3A_156 : vector<16xi1>, vector<16xf32>
    %ne3A_158 = arith.constant 0.000000e+00 : f32
    %ne3A_159 = vector.broadcast %ne3A_158 : f32 to vector<16xf32>
    %ne3A_160 = arith.cmpf one, %gather3A_96, %ne3A_159 : vector<16xf32>
    %jit3A_161 = arith.constant 1.000000e+00 : f32
    %jit3A_162 = arith.constant 0.000000e+00 : f32
    %broadcast_in_dim3A_163 = vector.broadcast %jit3A_161 : f32 to vector<16xf32>
    %broadcast_in_dim3A_164 = vector.broadcast %jit3A_162 : f32 to vector<16xf32>
    %select_n3A_165 = arith.select %ne3A_160, %broadcast_in_dim3A_163, %broadcast_in_dim3A_164 : vector<16xi1>, vector<16xf32>
    %add3A_166 = arith.addf %select_n3A, %select_n3A_109 : vector<16xf32>
    %max3A = arith.constant 1.000000e+00 : f32
    %max3A_167 = vector.broadcast %max3A : f32 to vector<16xf32>
    %max3A_168 = arith.maximumf %add3A_166, %max3A_167 : vector<16xf32>
    %div3A = arith.constant 1.000000e+00 : f32
    %div3A_169 = vector.broadcast %div3A : f32 to vector<16xf32>
    %div3A_170 = arith.divf %div3A_169, %max3A_168 : vector<16xf32>
    %add3A_171 = arith.addf %select_n3A_109, %select_n3A_125 : vector<16xf32>
    %max3A_172 = arith.constant 1.000000e+00 : f32
    %max3A_173 = vector.broadcast %max3A_172 : f32 to vector<16xf32>
    %max3A_174 = arith.maximumf %add3A_171, %max3A_173 : vector<16xf32>
    %div3A_175 = arith.constant 1.000000e+00 : f32
    %div3A_176 = vector.broadcast %div3A_175 : f32 to vector<16xf32>
    %div3A_177 = arith.divf %div3A_176, %max3A_174 : vector<16xf32>
    %add3A_178 = arith.addf %select_n3A_125, %select_n3A_133 : vector<16xf32>
    %max3A_179 = arith.constant 1.000000e+00 : f32
    %max3A_180 = vector.broadcast %max3A_179 : f32 to vector<16xf32>
    %max3A_181 = arith.maximumf %add3A_178, %max3A_180 : vector<16xf32>
    %div3A_182 = arith.constant 1.000000e+00 : f32
    %div3A_183 = vector.broadcast %div3A_182 : f32 to vector<16xf32>
    %div3A_184 = arith.divf %div3A_183, %max3A_181 : vector<16xf32>
    %add3A_185 = arith.addf %select_n3A_133, %select_n3A_149 : vector<16xf32>
    %max3A_186 = arith.constant 1.000000e+00 : f32
    %max3A_187 = vector.broadcast %max3A_186 : f32 to vector<16xf32>
    %max3A_188 = arith.maximumf %add3A_185, %max3A_187 : vector<16xf32>
    %div3A_189 = arith.constant 1.000000e+00 : f32
    %div3A_190 = vector.broadcast %div3A_189 : f32 to vector<16xf32>
    %div3A_191 = arith.divf %div3A_190, %max3A_188 : vector<16xf32>
    %add3A_192 = arith.addf %select_n3A_109, %select_n3A_141 : vector<16xf32>
    %max3A_193 = arith.constant 1.000000e+00 : f32
    %max3A_194 = vector.broadcast %max3A_193 : f32 to vector<16xf32>
    %max3A_195 = arith.maximumf %add3A_192, %max3A_194 : vector<16xf32>
    %div3A_196 = arith.constant 1.000000e+00 : f32
    %div3A_197 = vector.broadcast %div3A_196 : f32 to vector<16xf32>
    %div3A_198 = arith.divf %div3A_197, %max3A_195 : vector<16xf32>
    %add3A_199 = arith.addf %select_n3A_141, %select_n3A_133 : vector<16xf32>
    %max3A_200 = arith.constant 1.000000e+00 : f32
    %max3A_201 = vector.broadcast %max3A_200 : f32 to vector<16xf32>
    %max3A_202 = arith.maximumf %add3A_199, %max3A_201 : vector<16xf32>
    %div3A_203 = arith.constant 1.000000e+00 : f32
    %div3A_204 = vector.broadcast %div3A_203 : f32 to vector<16xf32>
    %div3A_205 = arith.divf %div3A_204, %max3A_202 : vector<16xf32>
    %add3A_206 = arith.addf %select_n3A, %select_n3A : vector<16xf32>
    %max3A_207 = arith.constant 1.000000e+00 : f32
    %max3A_208 = vector.broadcast %max3A_207 : f32 to vector<16xf32>
    %max3A_209 = arith.maximumf %add3A_206, %max3A_208 : vector<16xf32>
    %div3A_210 = arith.constant 1.000000e+00 : f32
    %div3A_211 = vector.broadcast %div3A_210 : f32 to vector<16xf32>
    %div3A_212 = arith.divf %div3A_211, %max3A_209 : vector<16xf32>
    %add3A_213 = arith.addf %select_n3A_125, %select_n3A : vector<16xf32>
    %max3A_214 = arith.constant 1.000000e+00 : f32
    %max3A_215 = vector.broadcast %max3A_214 : f32 to vector<16xf32>
    %max3A_216 = arith.maximumf %add3A_213, %max3A_215 : vector<16xf32>
    %div3A_217 = arith.constant 1.000000e+00 : f32
    %div3A_218 = vector.broadcast %div3A_217 : f32 to vector<16xf32>
    %div3A_219 = arith.divf %div3A_218, %max3A_216 : vector<16xf32>
    %add3A_220 = arith.addf %select_n3A_149, %select_n3A_125 : vector<16xf32>
    %max3A_221 = arith.constant 1.000000e+00 : f32
    %max3A_222 = vector.broadcast %max3A_221 : f32 to vector<16xf32>
    %max3A_223 = arith.maximumf %add3A_220, %max3A_222 : vector<16xf32>
    %div3A_224 = arith.constant 1.000000e+00 : f32
    %div3A_225 = vector.broadcast %div3A_224 : f32 to vector<16xf32>
    %div3A_226 = arith.divf %div3A_225, %max3A_223 : vector<16xf32>
    %add3A_227 = arith.addf %select_n3A_149, %select_n3A_149 : vector<16xf32>
    %max3A_228 = arith.constant 1.000000e+00 : f32
    %max3A_229 = vector.broadcast %max3A_228 : f32 to vector<16xf32>
    %max3A_230 = arith.maximumf %add3A_227, %max3A_229 : vector<16xf32>
    %div3A_231 = arith.constant 1.000000e+00 : f32
    %div3A_232 = vector.broadcast %div3A_231 : f32 to vector<16xf32>
    %div3A_233 = arith.divf %div3A_232, %max3A_230 : vector<16xf32>
    %add3A_234 = arith.addf %select_n3A_109, %select_n3A_109 : vector<16xf32>
    %max3A_235 = arith.constant 1.000000e+00 : f32
    %max3A_236 = vector.broadcast %max3A_235 : f32 to vector<16xf32>
    %max3A_237 = arith.maximumf %add3A_234, %max3A_236 : vector<16xf32>
    %div3A_238 = arith.constant 1.000000e+00 : f32
    %div3A_239 = vector.broadcast %div3A_238 : f32 to vector<16xf32>
    %div3A_240 = arith.divf %div3A_239, %max3A_237 : vector<16xf32>
    %add3A_241 = arith.addf %select_n3A_133, %select_n3A_109 : vector<16xf32>
    %max3A_242 = arith.constant 1.000000e+00 : f32
    %max3A_243 = vector.broadcast %max3A_242 : f32 to vector<16xf32>
    %max3A_244 = arith.maximumf %add3A_241, %max3A_243 : vector<16xf32>
    %div3A_245 = arith.constant 1.000000e+00 : f32
    %div3A_246 = vector.broadcast %div3A_245 : f32 to vector<16xf32>
    %div3A_247 = arith.divf %div3A_246, %max3A_244 : vector<16xf32>
    %add3A_248 = arith.addf %select_n3A_157, %select_n3A_133 : vector<16xf32>
    %max3A_249 = arith.constant 1.000000e+00 : f32
    %max3A_250 = vector.broadcast %max3A_249 : f32 to vector<16xf32>
    %max3A_251 = arith.maximumf %add3A_248, %max3A_250 : vector<16xf32>
    %div3A_252 = arith.constant 1.000000e+00 : f32
    %div3A_253 = vector.broadcast %div3A_252 : f32 to vector<16xf32>
    %div3A_254 = arith.divf %div3A_253, %max3A_251 : vector<16xf32>
    %add3A_255 = arith.addf %select_n3A_141, %select_n3A_117 : vector<16xf32>
    %max3A_256 = arith.constant 1.000000e+00 : f32
    %max3A_257 = vector.broadcast %max3A_256 : f32 to vector<16xf32>
    %max3A_258 = arith.maximumf %add3A_255, %max3A_257 : vector<16xf32>
    %div3A_259 = arith.constant 1.000000e+00 : f32
    %div3A_260 = vector.broadcast %div3A_259 : f32 to vector<16xf32>
    %div3A_261 = arith.divf %div3A_260, %max3A_258 : vector<16xf32>
    %add3A_262 = arith.addf %select_n3A_165, %select_n3A_141 : vector<16xf32>
    %max3A_263 = arith.constant 1.000000e+00 : f32
    %max3A_264 = vector.broadcast %max3A_263 : f32 to vector<16xf32>
    %max3A_265 = arith.maximumf %add3A_262, %max3A_264 : vector<16xf32>
    %div3A_266 = arith.constant 1.000000e+00 : f32
    %div3A_267 = vector.broadcast %div3A_266 : f32 to vector<16xf32>
    %div3A_268 = arith.divf %div3A_267, %max3A_265 : vector<16xf32>
    %scan3A_269 = arith.constant 0 : i32
    %scan3A_270 = arith.constant 0 : i32
    %scan3A_271 = arith.constant 16 : i32
    %scan3A_272 = arith.addi %scan3A_270, %scan3A_271 : i32
    %scan3A_273 = arith.constant 1 : i32
    scf.for %scan3A_317 = %scan3A_270 to %scan3A_272 step %scan3A_273  : i32 {
      %mul3A_318 = arith.constant 2 : i32
      %mul3A_319 = arith.muli %scan3A_317, %mul3A_318 : i32
      %add3A_320 = arith.constant 0 : i32
      %add3A_321 = arith.addi %mul3A_319, %add3A_320 : i32
      %jit3A_322 = arith.constant 2 : i32
      %div3A_323 = arith.divsi %add3A_321, %jit3A_322 : i32
      %sign3A = arith.constant 0 : i32
      %sign3A_324 = arith.cmpi sgt, %add3A_321, %sign3A : i32
      %sign3A_325 = arith.extui %sign3A_324 : i1 to i32
      %sign3A_326 = arith.constant 0 : i32
      %sign3A_327 = arith.cmpi slt, %add3A_321, %sign3A_326 : i32
      %sign3A_328 = arith.extui %sign3A_327 : i1 to i32
      %sign3A_329 = arith.subi %sign3A_325, %sign3A_328 : i32
      %sign3A_330 = arith.constant 0 : i32
      %sign3A_331 = arith.cmpi sgt, %jit3A_322, %sign3A_330 : i32
      %sign3A_332 = arith.extui %sign3A_331 : i1 to i32
      %sign3A_333 = arith.constant 0 : i32
      %sign3A_334 = arith.cmpi slt, %jit3A_322, %sign3A_333 : i32
      %sign3A_335 = arith.extui %sign3A_334 : i1 to i32
      %sign3A_336 = arith.subi %sign3A_332, %sign3A_335 : i32
      %ne3A_337 = arith.cmpi ne, %sign3A_329, %sign3A_336 : i32
      %rem3A = arith.remsi %add3A_321, %jit3A_322 : i32
      %ne3A_338 = arith.constant 0 : i32
      %ne3A_339 = arith.cmpi ne, %rem3A, %ne3A_338 : i32
      %and3A = arith.andi %ne3A_337, %ne3A_339 : i1
      %sub3A = arith.constant 1 : i32
      %sub3A_340 = arith.subi %div3A_323, %sub3A : i32
      %select_n3A_341 = arith.select %and3A, %sub3A_340, %div3A_323 : i32
      %jit3A_342 = arith.constant 2 : i32
      %eq3A = arith.constant 0 : i32
      %eq3A_343 = arith.cmpi eq, %jit3A_342, %eq3A : i32
      %jit3A_344 = arith.constant 1 : i32
      %select_n3A_345 = arith.select %eq3A_343, %jit3A_344, %jit3A_342 : i32
      %rem3A_346 = arith.remsi %add3A_321, %select_n3A_345 : i32
      %ne3A_347 = arith.constant 0 : i32
      %ne3A_348 = arith.cmpi ne, %rem3A_346, %ne3A_347 : i32
      %lt3A = arith.constant 0 : i32
      %lt3A_349 = arith.cmpi slt, %rem3A_346, %lt3A : i32
      %lt3A_350 = arith.constant 0 : i32
      %lt3A_351 = arith.cmpi slt, %select_n3A_345, %lt3A_350 : i32
      %ne3A_352 = arith.xori %lt3A_349, %lt3A_351 : i1
      %and3A_353 = arith.andi %ne3A_352, %ne3A_348 : i1
      %add3A_354 = arith.addi %rem3A_346, %select_n3A_345 : i32
      %select_n3A_355 = arith.select %and3A_353, %add3A_354, %rem3A_346 : i32
      %mul3A_356 = arith.constant 128 : i32
      %mul3A_357 = arith.muli %add3A, %mul3A_356 : i32
      %mul3A_358 = arith.constant 8 : i32
      %mul3A_359 = arith.muli %select_n3A_341, %mul3A_358 : i32
      %add3A_360 = arith.addi %mul3A_357, %mul3A_359 : i32
      %mul3A_361 = arith.constant 128 : i32
      %mul3A_362 = arith.muli %select_n3A_355, %mul3A_361 : i32
      %dma_wait3A_363 = arith.constant 0 : i32
      %dma_wait3A_364 = arith.constant 0 : i32
      %dma_wait3A_365 = arith.constant 0 : i32
      %dma_wait3A_366 = arith.constant 0 : i32
      %dma_wait3A_367 = tpu.memref_slice %arg4[%dma_wait3A_363, %dma_wait3A_364, %dma_wait3A_365, %dma_wait3A_366] : memref<2x9x8x128xf32, #tpu.memory_space<vmem>> -> memref<1x9x8x128xf32, #tpu.memory_space<vmem>>
      %dma_wait3A_368 = tpu.memref_squeeze %dma_wait3A_367 : memref<1x9x8x128xf32, #tpu.memory_space<vmem>> -> memref<9x8x128xf32, #tpu.memory_space<vmem>>
      %dma_wait3A_369 = arith.constant 0 : i32
      %dma_wait3A_370 = tpu.memref_slice %arg2[%dma_wait3A_369, %add3A_360, %mul3A_362] : memref<9x4096x256xf32, #tpu.memory_space<hbm>> -> memref<9x8x128xf32, #tpu.memory_space<hbm>>
      %dma_wait3A_371 = arith.constant 0 : i32
      %dma_wait3A_372 = arith.constant 0 : i32
      %dma_wait3A_373 = arith.constant 0 : i32
      %dma_wait3A_374 = tpu.memref_slice %arg4[%dma_wait3A_363, %dma_wait3A_371, %dma_wait3A_372, %dma_wait3A_373] : memref<2x9x8x128xf32, #tpu.memory_space<vmem>> -> memref<1x9x8x128xf32, #tpu.memory_space<vmem>>
      %dma_wait3A_375 = tpu.memref_squeeze %dma_wait3A_374 : memref<1x9x8x128xf32, #tpu.memory_space<vmem>> -> memref<9x8x128xf32, #tpu.memory_space<vmem>>
      %dma_wait3A_376 = arith.constant 0 : i32
      %dma_wait3A_377 = tpu.memref_slice %arg2[%dma_wait3A_376, %add3A_360, %mul3A_362] : memref<9x4096x256xf32, #tpu.memory_space<hbm>> -> memref<9x8x128xf32, #tpu.memory_space<hbm>>
      tpu.wait_dma2 semaphore(%arg7 : memref<!tpu.dma_semaphore, #tpu.memory_space<semaphore_mem>>) src(%dma_wait3A_377 : memref<9x8x128xf32, #tpu.memory_space<hbm>>) dst(%dma_wait3A_375 : memref<9x8x128xf32, #tpu.memory_space<vmem>>)
      %gt3A = arith.constant 0 : i32
      %gt3A_378 = arith.cmpi sgt, %scan3A_317, %gt3A : i32
      %convert_element_type3A = arith.extui %gt3A_378 : i1 to i32
      %cond3A = arith.constant 0 : i32
      %cond3A_379 = arith.cmpi ne, %convert_element_type3A, %cond3A : i32
      scf.if %cond3A_379 {
        %sub3A_601 = arith.constant 2 : i32
        %sub3A_602 = arith.subi %add3A_321, %sub3A_601 : i32
        %jit3A_603 = arith.constant 2 : i32
        %div3A_604 = arith.divsi %sub3A_602, %jit3A_603 : i32
        %sign3A_605 = arith.constant 0 : i32
        %sign3A_606 = arith.cmpi sgt, %sub3A_602, %sign3A_605 : i32
        %sign3A_607 = arith.extui %sign3A_606 : i1 to i32
        %sign3A_608 = arith.constant 0 : i32
        %sign3A_609 = arith.cmpi slt, %sub3A_602, %sign3A_608 : i32
        %sign3A_610 = arith.extui %sign3A_609 : i1 to i32
        %sign3A_611 = arith.subi %sign3A_607, %sign3A_610 : i32
        %sign3A_612 = arith.constant 0 : i32
        %sign3A_613 = arith.cmpi sgt, %jit3A_603, %sign3A_612 : i32
        %sign3A_614 = arith.extui %sign3A_613 : i1 to i32
        %sign3A_615 = arith.constant 0 : i32
        %sign3A_616 = arith.cmpi slt, %jit3A_603, %sign3A_615 : i32
        %sign3A_617 = arith.extui %sign3A_616 : i1 to i32
        %sign3A_618 = arith.subi %sign3A_614, %sign3A_617 : i32
        %ne3A_619 = arith.cmpi ne, %sign3A_611, %sign3A_618 : i32
        %rem3A_620 = arith.remsi %sub3A_602, %jit3A_603 : i32
        %ne3A_621 = arith.constant 0 : i32
        %ne3A_622 = arith.cmpi ne, %rem3A_620, %ne3A_621 : i32
        %and3A_623 = arith.andi %ne3A_619, %ne3A_622 : i1
        %sub3A_624 = arith.constant 1 : i32
        %sub3A_625 = arith.subi %div3A_604, %sub3A_624 : i32
        %select_n3A_626 = arith.select %and3A_623, %sub3A_625, %div3A_604 : i32
        %jit3A_627 = arith.constant 2 : i32
        %eq3A_628 = arith.constant 0 : i32
        %eq3A_629 = arith.cmpi eq, %jit3A_627, %eq3A_628 : i32
        %jit3A_630 = arith.constant 1 : i32
        %select_n3A_631 = arith.select %eq3A_629, %jit3A_630, %jit3A_627 : i32
        %rem3A_632 = arith.remsi %sub3A_602, %select_n3A_631 : i32
        %ne3A_633 = arith.constant 0 : i32
        %ne3A_634 = arith.cmpi ne, %rem3A_632, %ne3A_633 : i32
        %lt3A_635 = arith.constant 0 : i32
        %lt3A_636 = arith.cmpi slt, %rem3A_632, %lt3A_635 : i32
        %lt3A_637 = arith.constant 0 : i32
        %lt3A_638 = arith.cmpi slt, %select_n3A_631, %lt3A_637 : i32
        %ne3A_639 = arith.xori %lt3A_636, %lt3A_638 : i1
        %and3A_640 = arith.andi %ne3A_639, %ne3A_634 : i1
        %add3A_641 = arith.addi %rem3A_632, %select_n3A_631 : i32
        %select_n3A_642 = arith.select %and3A_640, %add3A_641, %rem3A_632 : i32
        %mul3A_643 = arith.constant 128 : i32
        %mul3A_644 = arith.muli %add3A, %mul3A_643 : i32
        %mul3A_645 = arith.constant 8 : i32
        %mul3A_646 = arith.muli %select_n3A_626, %mul3A_645 : i32
        %add3A_647 = arith.addi %mul3A_644, %mul3A_646 : i32
        %mul3A_648 = arith.constant 128 : i32
        %mul3A_649 = arith.muli %select_n3A_642, %mul3A_648 : i32
        %dma_wait3A_650 = arith.constant 0 : i32
        %dma_wait3A_651 = arith.constant 0 : i32
        %dma_wait3A_652 = arith.constant 0 : i32
        %dma_wait3A_653 = arith.constant 0 : i32
        %dma_wait3A_654 = tpu.memref_slice %arg5[%dma_wait3A_650, %dma_wait3A_651, %dma_wait3A_652, %dma_wait3A_653] : memref<2x49x8x128xf32, #tpu.memory_space<vmem>> -> memref<1x49x8x128xf32, #tpu.memory_space<vmem>>
        %dma_wait3A_655 = tpu.memref_squeeze %dma_wait3A_654 : memref<1x49x8x128xf32, #tpu.memory_space<vmem>> -> memref<49x8x128xf32, #tpu.memory_space<vmem>>
        %dma_wait3A_656 = arith.constant 0 : i32
        %dma_wait3A_657 = tpu.memref_slice %arg3[%dma_wait3A_656, %add3A_647, %mul3A_649] : memref<49x4096x256xf32, #tpu.memory_space<hbm>> -> memref<49x8x128xf32, #tpu.memory_space<hbm>>
        %dma_wait3A_658 = arith.constant 0 : i32
        %dma_wait3A_659 = tpu.memref_slice %arg3[%dma_wait3A_658, %add3A_647, %mul3A_649] : memref<49x4096x256xf32, #tpu.memory_space<hbm>> -> memref<49x8x128xf32, #tpu.memory_space<hbm>>
        %dma_wait3A_660 = arith.constant 0 : i32
        %dma_wait3A_661 = arith.constant 0 : i32
        %dma_wait3A_662 = arith.constant 0 : i32
        %dma_wait3A_663 = tpu.memref_slice %arg5[%dma_wait3A_650, %dma_wait3A_660, %dma_wait3A_661, %dma_wait3A_662] : memref<2x49x8x128xf32, #tpu.memory_space<vmem>> -> memref<1x49x8x128xf32, #tpu.memory_space<vmem>>
        %dma_wait3A_664 = tpu.memref_squeeze %dma_wait3A_663 : memref<1x49x8x128xf32, #tpu.memory_space<vmem>> -> memref<49x8x128xf32, #tpu.memory_space<vmem>>
        tpu.wait_dma2 semaphore(%arg9 : memref<!tpu.dma_semaphore, #tpu.memory_space<semaphore_mem>>) src(%dma_wait3A_664 : memref<49x8x128xf32, #tpu.memory_space<vmem>>) dst(%dma_wait3A_659 : memref<49x8x128xf32, #tpu.memory_space<hbm>>)
      } else {
      }
      %scan3A_380 = arith.constant 0 : i32
      %scan3A_381 = arith.constant 0 : i32
      %scan3A_382 = arith.constant 8 : i32
      %scan3A_383 = arith.addi %scan3A_381, %scan3A_382 : i32
      %scan3A_384 = arith.constant 1 : i32
      scf.for %scan3A_601 = %scan3A_381 to %scan3A_383 step %scan3A_384  : i32 {
        %scan3A_602 = arith.constant 0 : i32
        %scan3A_603 = arith.constant 8 : i32
        %scan3A_604 = arith.addi %scan3A_602, %scan3A_603 : i32
        %scan3A_605 = arith.constant 1 : i32
        scf.for %scan3A_607 = %scan3A_602 to %scan3A_604 step %scan3A_605  : i32 {
          %mul3A_608 = arith.constant 16 : i32
          %mul3A_609 = arith.muli %scan3A_607, %mul3A_608 : i32
          %get3A = arith.constant 0 : i32
          %get3A_610 = arith.constant 0 : i32
          %get3A_611 = arith.index_cast %get3A : i32 to index
          %get3A_612 = arith.index_cast %get3A_610 : i32 to index
          %get3A_613 = arith.index_cast %scan3A_601 : i32 to index
          %get3A_614 = arith.index_cast %mul3A_609 : i32 to index
          %get3A_615 = tpu.vector_load %arg4[%get3A_611, %get3A_612, %get3A_613, %get3A_614] {strides = array<i32>} : memref<2x9x8x128xf32, #tpu.memory_space<vmem>>, vector<16xf32>,
          %get3A_616 = arith.constant 0 : i32
          %get3A_617 = arith.constant 1 : i32
          %get3A_618 = arith.index_cast %get3A_616 : i32 to index
          %get3A_619 = arith.index_cast %get3A_617 : i32 to index
          %get3A_620 = arith.index_cast %scan3A_601 : i32 to index
          %get3A_621 = arith.index_cast %mul3A_609 : i32 to index
          %get3A_622 = tpu.vector_load %arg4[%get3A_618, %get3A_619, %get3A_620, %get3A_621] {strides = array<i32>} : memref<2x9x8x128xf32, #tpu.memory_space<vmem>>, vector<16xf32>,
          %get3A_623 = arith.constant 0 : i32
          %get3A_624 = arith.constant 2 : i32
          %get3A_625 = arith.index_cast %get3A_623 : i32 to index
          %get3A_626 = arith.index_cast %get3A_624 : i32 to index
          %get3A_627 = arith.index_cast %scan3A_601 : i32 to index
          %get3A_628 = arith.index_cast %mul3A_609 : i32 to index
          %get3A_629 = tpu.vector_load %arg4[%get3A_625, %get3A_626, %get3A_627, %get3A_628] {strides = array<i32>} : memref<2x9x8x128xf32, #tpu.memory_space<vmem>>, vector<16xf32>,
          %get3A_630 = arith.constant 0 : i32
          %get3A_631 = arith.constant 3 : i32
          %get3A_632 = arith.index_cast %get3A_630 : i32 to index
          %get3A_633 = arith.index_cast %get3A_631 : i32 to index
          %get3A_634 = arith.index_cast %scan3A_601 : i32 to index
          %get3A_635 = arith.index_cast %mul3A_609 : i32 to index
          %get3A_636 = tpu.vector_load %arg4[%get3A_632, %get3A_633, %get3A_634, %get3A_635] {strides = array<i32>} : memref<2x9x8x128xf32, #tpu.memory_space<vmem>>, vector<16xf32>,
          %get3A_637 = arith.constant 0 : i32
          %get3A_638 = arith.constant 4 : i32
          %get3A_639 = arith.index_cast %get3A_637 : i32 to index
          %get3A_640 = arith.index_cast %get3A_638 : i32 to index
          %get3A_641 = arith.index_cast %scan3A_601 : i32 to index
          %get3A_642 = arith.index_cast %mul3A_609 : i32 to index
          %get3A_643 = tpu.vector_load %arg4[%get3A_639, %get3A_640, %get3A_641, %get3A_642] {strides = array<i32>} : memref<2x9x8x128xf32, #tpu.memory_space<vmem>>, vector<16xf32>,
          %get3A_644 = arith.constant 0 : i32
          %get3A_645 = arith.constant 5 : i32
          %get3A_646 = arith.index_cast %get3A_644 : i32 to index
          %get3A_647 = arith.index_cast %get3A_645 : i32 to index
          %get3A_648 = arith.index_cast %scan3A_601 : i32 to index
          %get3A_649 = arith.index_cast %mul3A_609 : i32 to index
          %get3A_650 = tpu.vector_load %arg4[%get3A_646, %get3A_647, %get3A_648, %get3A_649] {strides = array<i32>} : memref<2x9x8x128xf32, #tpu.memory_space<vmem>>, vector<16xf32>,
          %get3A_651 = arith.constant 0 : i32
          %get3A_652 = arith.constant 6 : i32
          %get3A_653 = arith.index_cast %get3A_651 : i32 to index
          %get3A_654 = arith.index_cast %get3A_652 : i32 to index
          %get3A_655 = arith.index_cast %scan3A_601 : i32 to index
          %get3A_656 = arith.index_cast %mul3A_609 : i32 to index
          %get3A_657 = tpu.vector_load %arg4[%get3A_653, %get3A_654, %get3A_655, %get3A_656] {strides = array<i32>} : memref<2x9x8x128xf32, #tpu.memory_space<vmem>>, vector<16xf32>,
          %get3A_658 = arith.constant 0 : i32
          %get3A_659 = arith.constant 7 : i32
          %get3A_660 = arith.index_cast %get3A_658 : i32 to index
          %get3A_661 = arith.index_cast %get3A_659 : i32 to index
          %get3A_662 = arith.index_cast %scan3A_601 : i32 to index
          %get3A_663 = arith.index_cast %mul3A_609 : i32 to index
          %get3A_664 = tpu.vector_load %arg4[%get3A_660, %get3A_661, %get3A_662, %get3A_663] {strides = array<i32>} : memref<2x9x8x128xf32, #tpu.memory_space<vmem>>, vector<16xf32>,
          %get3A_665 = arith.constant 0 : i32
          %get3A_666 = arith.constant 8 : i32
          %get3A_667 = arith.index_cast %get3A_665 : i32 to index
          %get3A_668 = arith.index_cast %get3A_666 : i32 to index
          %get3A_669 = arith.index_cast %scan3A_601 : i32 to index
          %get3A_670 = arith.index_cast %mul3A_609 : i32 to index
          %get3A_671 = tpu.vector_load %arg4[%get3A_667, %get3A_668, %get3A_669, %get3A_670] {strides = array<i32>} : memref<2x9x8x128xf32, #tpu.memory_space<vmem>>, vector<16xf32>,
          %swap3A = arith.constant 0 : i32
          %swap3A_672 = arith.constant 8 : i32
          %swap3A_673 = arith.index_cast %swap3A : i32 to index
          %swap3A_674 = arith.index_cast %swap3A_672 : i32 to index
          %swap3A_675 = arith.index_cast %scan3A_601 : i32 to index
          %swap3A_676 = arith.index_cast %mul3A_609 : i32 to index
          %swap3A_677 = tpu.vector_load %arg5[%swap3A_673, %swap3A_674, %swap3A_675, %swap3A_676] {strides = array<i32>} : memref<2x49x8x128xf32, #tpu.memory_space<vmem>>, vector<16xf32>,
          tpu.vector_store %arg5[%swap3A_673, %swap3A_674, %swap3A_675, %swap3A_676], %get3A_615 {strides = array<i32>} : memref<2x49x8x128xf32, #tpu.memory_space<vmem>>, vector<16xf32>,
          %swap3A_678 = arith.constant 0 : i32
          %swap3A_679 = arith.constant 22 : i32
          %swap3A_680 = arith.index_cast %swap3A_678 : i32 to index
          %swap3A_681 = arith.index_cast %swap3A_679 : i32 to index
          %swap3A_682 = arith.index_cast %scan3A_601 : i32 to index
          %swap3A_683 = arith.index_cast %mul3A_609 : i32 to index
          %swap3A_684 = tpu.vector_load %arg5[%swap3A_680, %swap3A_681, %swap3A_682, %swap3A_683] {strides = array<i32>} : memref<2x49x8x128xf32, #tpu.memory_space<vmem>>, vector<16xf32>,
          tpu.vector_store %arg5[%swap3A_680, %swap3A_681, %swap3A_682, %swap3A_683], %get3A_636 {strides = array<i32>} : memref<2x49x8x128xf32, #tpu.memory_space<vmem>>, vector<16xf32>,
          %swap3A_685 = arith.constant 0 : i32
          %swap3A_686 = arith.constant 36 : i32
          %swap3A_687 = arith.index_cast %swap3A_685 : i32 to index
          %swap3A_688 = arith.index_cast %swap3A_686 : i32 to index
          %swap3A_689 = arith.index_cast %scan3A_601 : i32 to index
          %swap3A_690 = arith.index_cast %mul3A_609 : i32 to index
          %swap3A_691 = tpu.vector_load %arg5[%swap3A_687, %swap3A_688, %swap3A_689, %swap3A_690] {strides = array<i32>} : memref<2x49x8x128xf32, #tpu.memory_space<vmem>>, vector<16xf32>,
          tpu.vector_store %arg5[%swap3A_687, %swap3A_688, %swap3A_689, %swap3A_690], %get3A_657 {strides = array<i32>} : memref<2x49x8x128xf32, #tpu.memory_space<vmem>>, vector<16xf32>,
          %swap3A_692 = arith.constant 0 : i32
          %swap3A_693 = arith.constant 17 : i32
          %swap3A_694 = arith.index_cast %swap3A_692 : i32 to index
          %swap3A_695 = arith.index_cast %swap3A_693 : i32 to index
          %swap3A_696 = arith.index_cast %scan3A_601 : i32 to index
          %swap3A_697 = arith.index_cast %mul3A_609 : i32 to index
          %swap3A_698 = tpu.vector_load %arg5[%swap3A_694, %swap3A_695, %swap3A_696, %swap3A_697] {strides = array<i32>} : memref<2x49x8x128xf32, #tpu.memory_space<vmem>>, vector<16xf32>,
          tpu.vector_store %arg5[%swap3A_694, %swap3A_695, %swap3A_696, %swap3A_697], %get3A_622 {strides = array<i32>} : memref<2x49x8x128xf32, #tpu.memory_space<vmem>>, vector<16xf32>,
          %swap3A_699 = arith.constant 0 : i32
          %swap3A_700 = arith.constant 31 : i32
          %swap3A_701 = arith.index_cast %swap3A_699 : i32 to index
          %swap3A_702 = arith.index_cast %swap3A_700 : i32 to index
          %swap3A_703 = arith.index_cast %scan3A_601 : i32 to index
          %swap3A_704 = arith.index_cast %mul3A_609 : i32 to index
          %swap3A_705 = tpu.vector_load %arg5[%swap3A_701, %swap3A_702, %swap3A_703, %swap3A_704] {strides = array<i32>} : memref<2x49x8x128xf32, #tpu.memory_space<vmem>>, vector<16xf32>,
          tpu.vector_store %arg5[%swap3A_701, %swap3A_702, %swap3A_703, %swap3A_704], %get3A_643 {strides = array<i32>} : memref<2x49x8x128xf32, #tpu.memory_space<vmem>>, vector<16xf32>,
          %swap3A_706 = arith.constant 0 : i32
          %swap3A_707 = arith.constant 26 : i32
          %swap3A_708 = arith.index_cast %swap3A_706 : i32 to index
          %swap3A_709 = arith.index_cast %swap3A_707 : i32 to index
          %swap3A_710 = arith.index_cast %scan3A_601 : i32 to index
          %swap3A_711 = arith.index_cast %mul3A_609 : i32 to index
          %swap3A_712 = tpu.vector_load %arg5[%swap3A_708, %swap3A_709, %swap3A_710, %swap3A_711] {strides = array<i32>} : memref<2x49x8x128xf32, #tpu.memory_space<vmem>>, vector<16xf32>,
          tpu.vector_store %arg5[%swap3A_708, %swap3A_709, %swap3A_710, %swap3A_711], %get3A_650 {strides = array<i32>} : memref<2x49x8x128xf32, #tpu.memory_space<vmem>>, vector<16xf32>,
          %swap3A_713 = arith.constant 0 : i32
          %swap3A_714 = arith.constant 7 : i32
          %swap3A_715 = arith.index_cast %swap3A_713 : i32 to index
          %swap3A_716 = arith.index_cast %swap3A_714 : i32 to index
          %swap3A_717 = arith.index_cast %scan3A_601 : i32 to index
          %swap3A_718 = arith.index_cast %mul3A_609 : i32 to index
          %swap3A_719 = tpu.vector_load %arg5[%swap3A_715, %swap3A_716, %swap3A_717, %swap3A_718] {strides = array<i32>} : memref<2x49x8x128xf32, #tpu.memory_space<vmem>>, vector<16xf32>,
          tpu.vector_store %arg5[%swap3A_715, %swap3A_716, %swap3A_717, %swap3A_718], %get3A_615 {strides = array<i32>} : memref<2x49x8x128xf32, #tpu.memory_space<vmem>>, vector<16xf32>,
          %swap3A_720 = arith.constant 0 : i32
          %swap3A_721 = arith.constant 14 : i32
          %swap3A_722 = arith.index_cast %swap3A_720 : i32 to index
          %swap3A_723 = arith.index_cast %swap3A_721 : i32 to index
          %swap3A_724 = arith.index_cast %scan3A_601 : i32 to index
          %swap3A_725 = arith.index_cast %mul3A_609 : i32 to index
          %swap3A_726 = tpu.vector_load %arg5[%swap3A_722, %swap3A_723, %swap3A_724, %swap3A_725] {strides = array<i32>} : memref<2x49x8x128xf32, #tpu.memory_space<vmem>>, vector<16xf32>,
          tpu.vector_store %arg5[%swap3A_722, %swap3A_723, %swap3A_724, %swap3A_725], %get3A_615 {strides = array<i32>} : memref<2x49x8x128xf32, #tpu.memory_space<vmem>>, vector<16xf32>,
          %swap3A_727 = arith.constant 0 : i32
          %swap3A_728 = arith.constant 21 : i32
          %swap3A_729 = arith.index_cast %swap3A_727 : i32 to index
          %swap3A_730 = arith.index_cast %swap3A_728 : i32 to index
          %swap3A_731 = arith.index_cast %scan3A_601 : i32 to index
          %swap3A_732 = arith.index_cast %mul3A_609 : i32 to index
          %swap3A_733 = tpu.vector_load %arg5[%swap3A_729, %swap3A_730, %swap3A_731, %swap3A_732] {strides = array<i32>} : memref<2x49x8x128xf32, #tpu.memory_space<vmem>>, vector<16xf32>,
          tpu.vector_store %arg5[%swap3A_729, %swap3A_730, %swap3A_731, %swap3A_732], %get3A_636 {strides = array<i32>} : memref<2x49x8x128xf32, #tpu.memory_space<vmem>>, vector<16xf32>,
          %swap3A_734 = arith.constant 0 : i32
          %swap3A_735 = arith.constant 28 : i32
          %swap3A_736 = arith.index_cast %swap3A_734 : i32 to index
          %swap3A_737 = arith.index_cast %swap3A_735 : i32 to index
          %swap3A_738 = arith.index_cast %scan3A_601 : i32 to index
          %swap3A_739 = arith.index_cast %mul3A_609 : i32 to index
          %swap3A_740 = tpu.vector_load %arg5[%swap3A_736, %swap3A_737, %swap3A_738, %swap3A_739] {strides = array<i32>} : memref<2x49x8x128xf32, #tpu.memory_space<vmem>>, vector<16xf32>,
          tpu.vector_store %arg5[%swap3A_736, %swap3A_737, %swap3A_738, %swap3A_739], %get3A_636 {strides = array<i32>} : memref<2x49x8x128xf32, #tpu.memory_space<vmem>>, vector<16xf32>,
          %swap3A_741 = arith.constant 0 : i32
          %swap3A_742 = arith.constant 35 : i32
          %swap3A_743 = arith.index_cast %swap3A_741 : i32 to index
          %swap3A_744 = arith.index_cast %swap3A_742 : i32 to index
          %swap3A_745 = arith.index_cast %scan3A_601 : i32 to index
          %swap3A_746 = arith.index_cast %mul3A_609 : i32 to index
          %swap3A_747 = tpu.vector_load %arg5[%swap3A_743, %swap3A_744, %swap3A_745, %swap3A_746] {strides = array<i32>} : memref<2x49x8x128xf32, #tpu.memory_space<vmem>>, vector<16xf32>,
          tpu.vector_store %arg5[%swap3A_743, %swap3A_744, %swap3A_745, %swap3A_746], %get3A_657 {strides = array<i32>} : memref<2x49x8x128xf32, #tpu.memory_space<vmem>>, vector<16xf32>,
          %swap3A_748 = arith.constant 0 : i32
          %swap3A_749 = arith.constant 42 : i32
          %swap3A_750 = arith.index_cast %swap3A_748 : i32 to index
          %swap3A_751 = arith.index_cast %swap3A_749 : i32 to index
          %swap3A_752 = arith.index_cast %scan3A_601 : i32 to index
          %swap3A_753 = arith.index_cast %mul3A_609 : i32 to index
          %swap3A_754 = tpu.vector_load %arg5[%swap3A_750, %swap3A_751, %swap3A_752, %swap3A_753] {strides = array<i32>} : memref<2x49x8x128xf32, #tpu.memory_space<vmem>>, vector<16xf32>,
          tpu.vector_store %arg5[%swap3A_750, %swap3A_751, %swap3A_752, %swap3A_753], %get3A_657 {strides = array<i32>} : memref<2x49x8x128xf32, #tpu.memory_space<vmem>>, vector<16xf32>,
          %swap3A_755 = arith.constant 0 : i32
          %swap3A_756 = arith.constant 9 : i32
          %swap3A_757 = arith.index_cast %swap3A_755 : i32 to index
          %swap3A_758 = arith.index_cast %swap3A_756 : i32 to index
          %swap3A_759 = arith.index_cast %scan3A_601 : i32 to index
          %swap3A_760 = arith.index_cast %mul3A_609 : i32 to index
          %swap3A_761 = tpu.vector_load %arg5[%swap3A_757, %swap3A_758, %swap3A_759, %swap3A_760] {strides = array<i32>} : memref<2x49x8x128xf32, #tpu.memory_space<vmem>>, vector<16xf32>,
          tpu.vector_store %arg5[%swap3A_757, %swap3A_758, %swap3A_759, %swap3A_760], %get3A_615 {strides = array<i32>} : memref<2x49x8x128xf32, #tpu.memory_space<vmem>>, vector<16xf32>,
          %swap3A_762 = arith.constant 0 : i32
          %swap3A_763 = arith.constant 44 : i32
          %swap3A_764 = arith.index_cast %swap3A_762 : i32 to index
          %swap3A_765 = arith.index_cast %swap3A_763 : i32 to index
          %swap3A_766 = arith.index_cast %scan3A_601 : i32 to index
          %swap3A_767 = arith.index_cast %mul3A_609 : i32 to index
          %swap3A_768 = tpu.vector_load %arg5[%swap3A_764, %swap3A_765, %swap3A_766, %swap3A_767] {strides = array<i32>} : memref<2x49x8x128xf32, #tpu.memory_space<vmem>>, vector<16xf32>,
          tpu.vector_store %arg5[%swap3A_764, %swap3A_765, %swap3A_766, %swap3A_767], %get3A_657 {strides = array<i32>} : memref<2x49x8x128xf32, #tpu.memory_space<vmem>>, vector<16xf32>,
          %swap3A_769 = arith.constant 0 : i32
          %swap3A_770 = arith.constant 18 : i32
          %swap3A_771 = arith.index_cast %swap3A_769 : i32 to index
          %swap3A_772 = arith.index_cast %swap3A_770 : i32 to index
          %swap3A_773 = arith.index_cast %scan3A_601 : i32 to index
          %swap3A_774 = arith.index_cast %mul3A_609 : i32 to index
          %swap3A_775 = tpu.vector_load %arg5[%swap3A_771, %swap3A_772, %swap3A_773, %swap3A_774] {strides = array<i32>} : memref<2x49x8x128xf32, #tpu.memory_space<vmem>>, vector<16xf32>,
          tpu.vector_store %arg5[%swap3A_771, %swap3A_772, %swap3A_773, %swap3A_774], %get3A_622 {strides = array<i32>} : memref<2x49x8x128xf32, #tpu.memory_space<vmem>>, vector<16xf32>,
          %swap3A_776 = arith.constant 0 : i32
          %swap3A_777 = arith.constant 39 : i32
          %swap3A_778 = arith.index_cast %swap3A_776 : i32 to index
          %swap3A_779 = arith.index_cast %swap3A_777 : i32 to index
          %swap3A_780 = arith.index_cast %scan3A_601 : i32 to index
          %swap3A_781 = arith.index_cast %mul3A_609 : i32 to index
          %swap3A_782 = tpu.vector_load %arg5[%swap3A_778, %swap3A_779, %swap3A_780, %swap3A_781] {strides = array<i32>} : memref<2x49x8x128xf32, #tpu.memory_space<vmem>>, vector<16xf32>,
          tpu.vector_store %arg5[%swap3A_778, %swap3A_779, %swap3A_780, %swap3A_781], %get3A_643 {strides = array<i32>} : memref<2x49x8x128xf32, #tpu.memory_space<vmem>>, vector<16xf32>,
          %swap3A_783 = arith.constant 0 : i32
          %swap3A_784 = arith.constant 27 : i32
          %swap3A_785 = arith.index_cast %swap3A_783 : i32 to index
          %swap3A_786 = arith.index_cast %swap3A_784 : i32 to index
          %swap3A_787 = arith.index_cast %scan3A_601 : i32 to index
          %swap3A_788 = arith.index_cast %mul3A_609 : i32 to index
          %swap3A_789 = tpu.vector_load %arg5[%swap3A_785, %swap3A_786, %swap3A_787, %swap3A_788] {strides = array<i32>} : memref<2x49x8x128xf32, #tpu.memory_space<vmem>>, vector<16xf32>,
          tpu.vector_store %arg5[%swap3A_785, %swap3A_786, %swap3A_787, %swap3A_788], %get3A_650 {strides = array<i32>} : memref<2x49x8x128xf32, #tpu.memory_space<vmem>>, vector<16xf32>,
          %swap3A_790 = arith.constant 0 : i32
          %swap3A_791 = arith.constant 34 : i32
          %swap3A_792 = arith.index_cast %swap3A_790 : i32 to index
          %swap3A_793 = arith.index_cast %swap3A_791 : i32 to index
          %swap3A_794 = arith.index_cast %scan3A_601 : i32 to index
          %swap3A_795 = arith.index_cast %mul3A_609 : i32 to index
          %swap3A_796 = tpu.vector_load %arg5[%swap3A_792, %swap3A_793, %swap3A_794, %swap3A_795] {strides = array<i32>} : memref<2x49x8x128xf32, #tpu.memory_space<vmem>>, vector<16xf32>,
          tpu.vector_store %arg5[%swap3A_792, %swap3A_793, %swap3A_794, %swap3A_795], %get3A_650 {strides = array<i32>} : memref<2x49x8x128xf32, #tpu.memory_space<vmem>>, vector<16xf32>,
          %add3A_797 = arith.addf %get3A_615, %get3A_622 : vector<16xf32>
          %mul3A_798 = arith.mulf %add3A_797, %div3A_170 : vector<16xf32>
          %swap3A_799 = arith.constant 0 : i32
          %swap3A_800 = arith.constant 16 : i32
          %swap3A_801 = arith.index_cast %swap3A_799 : i32 to index
          %swap3A_802 = arith.index_cast %swap3A_800 : i32 to index
          %swap3A_803 = arith.index_cast %scan3A_601 : i32 to index
          %swap3A_804 = arith.index_cast %mul3A_609 : i32 to index
          %swap3A_805 = tpu.vector_load %arg5[%swap3A_801, %swap3A_802, %swap3A_803, %swap3A_804] {strides = array<i32>} : memref<2x49x8x128xf32, #tpu.memory_space<vmem>>, vector<16xf32>,
          tpu.vector_store %arg5[%swap3A_801, %swap3A_802, %swap3A_803, %swap3A_804], %mul3A_798 {strides = array<i32>} : memref<2x49x8x128xf32, #tpu.memory_space<vmem>>, vector<16xf32>,
          %add3A_806 = arith.addf %get3A_622, %get3A_636 : vector<16xf32>
          %mul3A_807 = arith.mulf %add3A_806, %div3A_177 : vector<16xf32>
          %swap3A_808 = arith.constant 0 : i32
          %swap3A_809 = arith.constant 23 : i32
          %swap3A_810 = arith.index_cast %swap3A_808 : i32 to index
          %swap3A_811 = arith.index_cast %swap3A_809 : i32 to index
          %swap3A_812 = arith.index_cast %scan3A_601 : i32 to index
          %swap3A_813 = arith.index_cast %mul3A_609 : i32 to index
          %swap3A_814 = tpu.vector_load %arg5[%swap3A_810, %swap3A_811, %swap3A_812, %swap3A_813] {strides = array<i32>} : memref<2x49x8x128xf32, #tpu.memory_space<vmem>>, vector<16xf32>,
          tpu.vector_store %arg5[%swap3A_810, %swap3A_811, %swap3A_812, %swap3A_813], %mul3A_807 {strides = array<i32>} : memref<2x49x8x128xf32, #tpu.memory_space<vmem>>, vector<16xf32>,
          %add3A_815 = arith.addf %get3A_636, %get3A_643 : vector<16xf32>
          %mul3A_816 = arith.mulf %add3A_815, %div3A_184 : vector<16xf32>
          %swap3A_817 = arith.constant 0 : i32
          %swap3A_818 = arith.constant 30 : i32
          %swap3A_819 = arith.index_cast %swap3A_817 : i32 to index
          %swap3A_820 = arith.index_cast %swap3A_818 : i32 to index
          %swap3A_821 = arith.index_cast %scan3A_601 : i32 to index
          %swap3A_822 = arith.index_cast %mul3A_609 : i32 to index
          %swap3A_823 = tpu.vector_load %arg5[%swap3A_819, %swap3A_820, %swap3A_821, %swap3A_822] {strides = array<i32>} : memref<2x49x8x128xf32, #tpu.memory_space<vmem>>, vector<16xf32>,
          tpu.vector_store %arg5[%swap3A_819, %swap3A_820, %swap3A_821, %swap3A_822], %mul3A_816 {strides = array<i32>} : memref<2x49x8x128xf32, #tpu.memory_space<vmem>>, vector<16xf32>,
          %add3A_824 = arith.addf %get3A_643, %get3A_657 : vector<16xf32>
          %mul3A_825 = arith.mulf %add3A_824, %div3A_191 : vector<16xf32>
          %swap3A_826 = arith.constant 0 : i32
          %swap3A_827 = arith.constant 37 : i32
          %swap3A_828 = arith.index_cast %swap3A_826 : i32 to index
          %swap3A_829 = arith.index_cast %swap3A_827 : i32 to index
          %swap3A_830 = arith.index_cast %scan3A_601 : i32 to index
          %swap3A_831 = arith.index_cast %mul3A_609 : i32 to index
          %swap3A_832 = tpu.vector_load %arg5[%swap3A_828, %swap3A_829, %swap3A_830, %swap3A_831] {strides = array<i32>} : memref<2x49x8x128xf32, #tpu.memory_space<vmem>>, vector<16xf32>,
          tpu.vector_store %arg5[%swap3A_828, %swap3A_829, %swap3A_830, %swap3A_831], %mul3A_825 {strides = array<i32>} : memref<2x49x8x128xf32, #tpu.memory_space<vmem>>, vector<16xf32>,
          %add3A_833 = arith.addf %get3A_622, %get3A_650 : vector<16xf32>
          %mul3A_834 = arith.mulf %add3A_833, %div3A_198 : vector<16xf32>
          %swap3A_835 = arith.constant 0 : i32
          %swap3A_836 = arith.constant 25 : i32
          %swap3A_837 = arith.index_cast %swap3A_835 : i32 to index
          %swap3A_838 = arith.index_cast %swap3A_836 : i32 to index
          %swap3A_839 = arith.index_cast %scan3A_601 : i32 to index
          %swap3A_840 = arith.index_cast %mul3A_609 : i32 to index
          %swap3A_841 = tpu.vector_load %arg5[%swap3A_837, %swap3A_838, %swap3A_839, %swap3A_840] {strides = array<i32>} : memref<2x49x8x128xf32, #tpu.memory_space<vmem>>, vector<16xf32>,
          tpu.vector_store %arg5[%swap3A_837, %swap3A_838, %swap3A_839, %swap3A_840], %mul3A_834 {strides = array<i32>} : memref<2x49x8x128xf32, #tpu.memory_space<vmem>>, vector<16xf32>,
          %add3A_842 = arith.addf %get3A_650, %get3A_643 : vector<16xf32>
          %mul3A_843 = arith.mulf %add3A_842, %div3A_205 : vector<16xf32>
          %swap3A_844 = arith.constant 0 : i32
          %swap3A_845 = arith.constant 32 : i32
          %swap3A_846 = arith.index_cast %swap3A_844 : i32 to index
          %swap3A_847 = arith.index_cast %swap3A_845 : i32 to index
          %swap3A_848 = arith.index_cast %scan3A_601 : i32 to index
          %swap3A_849 = arith.index_cast %mul3A_609 : i32 to index
          %swap3A_850 = tpu.vector_load %arg5[%swap3A_846, %swap3A_847, %swap3A_848, %swap3A_849] {strides = array<i32>} : memref<2x49x8x128xf32, #tpu.memory_space<vmem>>, vector<16xf32>,
          tpu.vector_store %arg5[%swap3A_846, %swap3A_847, %swap3A_848, %swap3A_849], %mul3A_843 {strides = array<i32>} : memref<2x49x8x128xf32, #tpu.memory_space<vmem>>, vector<16xf32>,
          %add3A_851 = arith.addf %get3A_615, %get3A_615 : vector<16xf32>
          %mul3A_852 = arith.mulf %add3A_851, %div3A_212 : vector<16xf32>
          %swap3A_853 = arith.constant 0 : i32
          %swap3A_854 = arith.constant 1 : i32
          %swap3A_855 = arith.index_cast %swap3A_853 : i32 to index
          %swap3A_856 = arith.index_cast %swap3A_854 : i32 to index
          %swap3A_857 = arith.index_cast %scan3A_601 : i32 to index
          %swap3A_858 = arith.index_cast %mul3A_609 : i32 to index
          %swap3A_859 = tpu.vector_load %arg5[%swap3A_855, %swap3A_856, %swap3A_857, %swap3A_858] {strides = array<i32>} : memref<2x49x8x128xf32, #tpu.memory_space<vmem>>, vector<16xf32>,
          tpu.vector_store %arg5[%swap3A_855, %swap3A_856, %swap3A_857, %swap3A_858], %mul3A_852 {strides = array<i32>} : memref<2x49x8x128xf32, #tpu.memory_space<vmem>>, vector<16xf32>,
          %add3A_860 = arith.addf %get3A_636, %get3A_615 : vector<16xf32>
          %mul3A_861 = arith.mulf %add3A_860, %div3A_219 : vector<16xf32>
          %swap3A_862 = arith.constant 0 : i32
          %swap3A_863 = arith.constant 15 : i32
          %swap3A_864 = arith.index_cast %swap3A_862 : i32 to index
          %swap3A_865 = arith.index_cast %swap3A_863 : i32 to index
          %swap3A_866 = arith.index_cast %scan3A_601 : i32 to index
          %swap3A_867 = arith.index_cast %mul3A_609 : i32 to index
          %swap3A_868 = tpu.vector_load %arg5[%swap3A_864, %swap3A_865, %swap3A_866, %swap3A_867] {strides = array<i32>} : memref<2x49x8x128xf32, #tpu.memory_space<vmem>>, vector<16xf32>,
          tpu.vector_store %arg5[%swap3A_864, %swap3A_865, %swap3A_866, %swap3A_867], %mul3A_861 {strides = array<i32>} : memref<2x49x8x128xf32, #tpu.memory_space<vmem>>, vector<16xf32>,
          %add3A_869 = arith.addf %get3A_657, %get3A_636 : vector<16xf32>
          %mul3A_870 = arith.mulf %add3A_869, %div3A_226 : vector<16xf32>
          %swap3A_871 = arith.constant 0 : i32
          %swap3A_872 = arith.constant 29 : i32
          %swap3A_873 = arith.index_cast %swap3A_871 : i32 to index
          %swap3A_874 = arith.index_cast %swap3A_872 : i32 to index
          %swap3A_875 = arith.index_cast %scan3A_601 : i32 to index
          %swap3A_876 = arith.index_cast %mul3A_609 : i32 to index
          %swap3A_877 = tpu.vector_load %arg5[%swap3A_873, %swap3A_874, %swap3A_875, %swap3A_876] {strides = array<i32>} : memref<2x49x8x128xf32, #tpu.memory_space<vmem>>, vector<16xf32>,
          tpu.vector_store %arg5[%swap3A_873, %swap3A_874, %swap3A_875, %swap3A_876], %mul3A_870 {strides = array<i32>} : memref<2x49x8x128xf32, #tpu.memory_space<vmem>>, vector<16xf32>,
          %add3A_878 = arith.addf %get3A_657, %get3A_657 : vector<16xf32>
          %mul3A_879 = arith.mulf %add3A_878, %div3A_233 : vector<16xf32>
          %swap3A_880 = arith.constant 0 : i32
          %swap3A_881 = arith.constant 43 : i32
          %swap3A_882 = arith.index_cast %swap3A_880 : i32 to index
          %swap3A_883 = arith.index_cast %swap3A_881 : i32 to index
          %swap3A_884 = arith.index_cast %scan3A_601 : i32 to index
          %swap3A_885 = arith.index_cast %mul3A_609 : i32 to index
          %swap3A_886 = tpu.vector_load %arg5[%swap3A_882, %swap3A_883, %swap3A_884, %swap3A_885] {strides = array<i32>} : memref<2x49x8x128xf32, #tpu.memory_space<vmem>>, vector<16xf32>,
          tpu.vector_store %arg5[%swap3A_882, %swap3A_883, %swap3A_884, %swap3A_885], %mul3A_879 {strides = array<i32>} : memref<2x49x8x128xf32, #tpu.memory_space<vmem>>, vector<16xf32>,
          %add3A_887 = arith.addf %get3A_622, %get3A_622 : vector<16xf32>
          %mul3A_888 = arith.mulf %add3A_887, %div3A_240 : vector<16xf32>
          %swap3A_889 = arith.constant 0 : i32
          %swap3A_890 = arith.constant 10 : i32
          %swap3A_891 = arith.index_cast %swap3A_889 : i32 to index
          %swap3A_892 = arith.index_cast %swap3A_890 : i32 to index
          %swap3A_893 = arith.index_cast %scan3A_601 : i32 to index
          %swap3A_894 = arith.index_cast %mul3A_609 : i32 to index
          %swap3A_895 = tpu.vector_load %arg5[%swap3A_891, %swap3A_892, %swap3A_893, %swap3A_894] {strides = array<i32>} : memref<2x49x8x128xf32, #tpu.memory_space<vmem>>, vector<16xf32>,
          tpu.vector_store %arg5[%swap3A_891, %swap3A_892, %swap3A_893, %swap3A_894], %mul3A_888 {strides = array<i32>} : memref<2x49x8x128xf32, #tpu.memory_space<vmem>>, vector<16xf32>,
          %add3A_896 = arith.addf %get3A_643, %get3A_622 : vector<16xf32>
          %mul3A_897 = arith.mulf %add3A_896, %div3A_247 : vector<16xf32>
          %swap3A_898 = arith.constant 0 : i32
          %swap3A_899 = arith.constant 24 : i32
          %swap3A_900 = arith.index_cast %swap3A_898 : i32 to index
          %swap3A_901 = arith.index_cast %swap3A_899 : i32 to index
          %swap3A_902 = arith.index_cast %scan3A_601 : i32 to index
          %swap3A_903 = arith.index_cast %mul3A_609 : i32 to index
          %swap3A_904 = tpu.vector_load %arg5[%swap3A_900, %swap3A_901, %swap3A_902, %swap3A_903] {strides = array<i32>} : memref<2x49x8x128xf32, #tpu.memory_space<vmem>>, vector<16xf32>,
          tpu.vector_store %arg5[%swap3A_900, %swap3A_901, %swap3A_902, %swap3A_903], %mul3A_897 {strides = array<i32>} : memref<2x49x8x128xf32, #tpu.memory_space<vmem>>, vector<16xf32>,
          %add3A_905 = arith.addf %get3A_664, %get3A_643 : vector<16xf32>
          %mul3A_906 = arith.mulf %add3A_905, %div3A_254 : vector<16xf32>
          %swap3A_907 = arith.constant 0 : i32
          %swap3A_908 = arith.constant 38 : i32
          %swap3A_909 = arith.index_cast %swap3A_907 : i32 to index
          %swap3A_910 = arith.index_cast %swap3A_908 : i32 to index
          %swap3A_911 = arith.index_cast %scan3A_601 : i32 to index
          %swap3A_912 = arith.index_cast %mul3A_609 : i32 to index
          %swap3A_913 = tpu.vector_load %arg5[%swap3A_909, %swap3A_910, %swap3A_911, %swap3A_912] {strides = array<i32>} : memref<2x49x8x128xf32, #tpu.memory_space<vmem>>, vector<16xf32>,
          tpu.vector_store %arg5[%swap3A_909, %swap3A_910, %swap3A_911, %swap3A_912], %mul3A_906 {strides = array<i32>} : memref<2x49x8x128xf32, #tpu.memory_space<vmem>>, vector<16xf32>,
          %add3A_914 = arith.addf %get3A_650, %get3A_629 : vector<16xf32>
          %mul3A_915 = arith.mulf %add3A_914, %div3A_261 : vector<16xf32>
          %swap3A_916 = arith.constant 0 : i32
          %swap3A_917 = arith.constant 19 : i32
          %swap3A_918 = arith.index_cast %swap3A_916 : i32 to index
          %swap3A_919 = arith.index_cast %swap3A_917 : i32 to index
          %swap3A_920 = arith.index_cast %scan3A_601 : i32 to index
          %swap3A_921 = arith.index_cast %mul3A_609 : i32 to index
          %swap3A_922 = tpu.vector_load %arg5[%swap3A_918, %swap3A_919, %swap3A_920, %swap3A_921] {strides = array<i32>} : memref<2x49x8x128xf32, #tpu.memory_space<vmem>>, vector<16xf32>,
          tpu.vector_store %arg5[%swap3A_918, %swap3A_919, %swap3A_920, %swap3A_921], %mul3A_915 {strides = array<i32>} : memref<2x49x8x128xf32, #tpu.memory_space<vmem>>, vector<16xf32>,
          %add3A_923 = arith.addf %get3A_671, %get3A_650 : vector<16xf32>
          %mul3A_924 = arith.mulf %add3A_923, %div3A_268 : vector<16xf32>
          %swap3A_925 = arith.constant 0 : i32
          %swap3A_926 = arith.constant 33 : i32
          %swap3A_927 = arith.index_cast %swap3A_925 : i32 to index
          %swap3A_928 = arith.index_cast %swap3A_926 : i32 to index
          %swap3A_929 = arith.index_cast %scan3A_601 : i32 to index
          %swap3A_930 = arith.index_cast %mul3A_609 : i32 to index
          %swap3A_931 = tpu.vector_load %arg5[%swap3A_927, %swap3A_928, %swap3A_929, %swap3A_930] {strides = array<i32>} : memref<2x49x8x128xf32, #tpu.memory_space<vmem>>, vector<16xf32>,
          tpu.vector_store %arg5[%swap3A_927, %swap3A_928, %swap3A_929, %swap3A_930], %mul3A_924 {strides = array<i32>} : memref<2x49x8x128xf32, #tpu.memory_space<vmem>>, vector<16xf32>,
        }
        %scan3A_606 = arith.constant 8 : i32
      }
      %scan3A_385 = arith.constant 8 : i32
      %add3A_386 = arith.constant 2 : i32
      %add3A_387 = arith.addi %add3A_321, %add3A_386 : i32
      %lt3A_388 = arith.constant 32 : i32
      %lt3A_389 = arith.cmpi slt, %add3A_387, %lt3A_388 : i32
      %convert_element_type3A_390 = arith.extui %lt3A_389 : i1 to i32
      %cond3A_391 = arith.constant 0 : i32
      %cond3A_392 = arith.cmpi ne, %convert_element_type3A_390, %cond3A_391 : i32
      scf.if %cond3A_392 {
        %add3A_601 = arith.constant 2 : i32
        %add3A_602 = arith.addi %add3A_321, %add3A_601 : i32
        %jit3A_603 = arith.constant 2 : i32
        %div3A_604 = arith.divsi %add3A_602, %jit3A_603 : i32
        %sign3A_605 = arith.constant 0 : i32
        %sign3A_606 = arith.cmpi sgt, %add3A_602, %sign3A_605 : i32
        %sign3A_607 = arith.extui %sign3A_606 : i1 to i32
        %sign3A_608 = arith.constant 0 : i32
        %sign3A_609 = arith.cmpi slt, %add3A_602, %sign3A_608 : i32
        %sign3A_610 = arith.extui %sign3A_609 : i1 to i32
        %sign3A_611 = arith.subi %sign3A_607, %sign3A_610 : i32
        %sign3A_612 = arith.constant 0 : i32
        %sign3A_613 = arith.cmpi sgt, %jit3A_603, %sign3A_612 : i32
        %sign3A_614 = arith.extui %sign3A_613 : i1 to i32
        %sign3A_615 = arith.constant 0 : i32
        %sign3A_616 = arith.cmpi slt, %jit3A_603, %sign3A_615 : i32
        %sign3A_617 = arith.extui %sign3A_616 : i1 to i32
        %sign3A_618 = arith.subi %sign3A_614, %sign3A_617 : i32
        %ne3A_619 = arith.cmpi ne, %sign3A_611, %sign3A_618 : i32
        %rem3A_620 = arith.remsi %add3A_602, %jit3A_603 : i32
        %ne3A_621 = arith.constant 0 : i32
        %ne3A_622 = arith.cmpi ne, %rem3A_620, %ne3A_621 : i32
        %and3A_623 = arith.andi %ne3A_619, %ne3A_622 : i1
        %sub3A_624 = arith.constant 1 : i32
        %sub3A_625 = arith.subi %div3A_604, %sub3A_624 : i32
        %select_n3A_626 = arith.select %and3A_623, %sub3A_625, %div3A_604 : i32
        %jit3A_627 = arith.constant 2 : i32
        %eq3A_628 = arith.constant 0 : i32
        %eq3A_629 = arith.cmpi eq, %jit3A_627, %eq3A_628 : i32
        %jit3A_630 = arith.constant 1 : i32
        %select_n3A_631 = arith.select %eq3A_629, %jit3A_630, %jit3A_627 : i32
        %rem3A_632 = arith.remsi %add3A_602, %select_n3A_631 : i32
        %ne3A_633 = arith.constant 0 : i32
        %ne3A_634 = arith.cmpi ne, %rem3A_632, %ne3A_633 : i32
        %lt3A_635 = arith.constant 0 : i32
        %lt3A_636 = arith.cmpi slt, %rem3A_632, %lt3A_635 : i32
        %lt3A_637 = arith.constant 0 : i32
        %lt3A_638 = arith.cmpi slt, %select_n3A_631, %lt3A_637 : i32
        %ne3A_639 = arith.xori %lt3A_636, %lt3A_638 : i1
        %and3A_640 = arith.andi %ne3A_639, %ne3A_634 : i1
        %add3A_641 = arith.addi %rem3A_632, %select_n3A_631 : i32
        %select_n3A_642 = arith.select %and3A_640, %add3A_641, %rem3A_632 : i32
        %mul3A_643 = arith.constant 128 : i32
        %mul3A_644 = arith.muli %add3A, %mul3A_643 : i32
        %mul3A_645 = arith.constant 8 : i32
        %mul3A_646 = arith.muli %select_n3A_626, %mul3A_645 : i32
        %add3A_647 = arith.addi %mul3A_644, %mul3A_646 : i32
        %mul3A_648 = arith.constant 128 : i32
        %mul3A_649 = arith.muli %select_n3A_642, %mul3A_648 : i32
        %dma_start3A_650 = arith.constant 0 : i32
        %dma_start3A_651 = arith.constant 0 : i32
        %dma_start3A_652 = arith.constant 0 : i32
        %dma_start3A_653 = arith.constant 0 : i32
        %dma_start3A_654 = tpu.memref_slice %arg4[%dma_start3A_650, %dma_start3A_651, %dma_start3A_652, %dma_start3A_653] : memref<2x9x8x128xf32, #tpu.memory_space<vmem>> -> memref<1x9x8x128xf32, #tpu.memory_space<vmem>>
        %dma_start3A_655 = tpu.memref_squeeze %dma_start3A_654 : memref<1x9x8x128xf32, #tpu.memory_space<vmem>> -> memref<9x8x128xf32, #tpu.memory_space<vmem>>
        %dma_start3A_656 = arith.constant 0 : i32
        %dma_start3A_657 = tpu.memref_slice %arg2[%dma_start3A_656, %add3A_647, %mul3A_649] : memref<9x4096x256xf32, #tpu.memory_space<hbm>> -> memref<9x8x128xf32, #tpu.memory_space<hbm>>
        %dma_start3A_658 = arith.constant 0 : i32
        %dma_start3A_659 = arith.constant 0 : i32
        %dma_start3A_660 = arith.constant 0 : i32
        %dma_start3A_661 = tpu.memref_slice %arg4[%dma_start3A_650, %dma_start3A_658, %dma_start3A_659, %dma_start3A_660] : memref<2x9x8x128xf32, #tpu.memory_space<vmem>> -> memref<1x9x8x128xf32, #tpu.memory_space<vmem>>
        %dma_start3A_662 = tpu.memref_squeeze %dma_start3A_661 : memref<1x9x8x128xf32, #tpu.memory_space<vmem>> -> memref<9x8x128xf32, #tpu.memory_space<vmem>>
        %dma_start3A_663 = arith.constant 0 : i32
        %dma_start3A_664 = tpu.memref_slice %arg2[%dma_start3A_663, %add3A_647, %mul3A_649] : memref<9x4096x256xf32, #tpu.memory_space<hbm>> -> memref<9x8x128xf32, #tpu.memory_space<hbm>>
        tpu.enqueue_dma source(%dma_start3A_664 : memref<9x8x128xf32, #tpu.memory_space<hbm>>) target(%dma_start3A_662 : memref<9x8x128xf32, #tpu.memory_space<vmem>>) target_semaphore(%arg7 : memref<!tpu.dma_semaphore, #tpu.memory_space<semaphore_mem>>)
      } else {
      }
      %jit3A_393 = arith.constant 2 : i32
      %div3A_394 = arith.divsi %add3A_321, %jit3A_393 : i32
      %sign3A_395 = arith.constant 0 : i32
      %sign3A_396 = arith.cmpi sgt, %add3A_321, %sign3A_395 : i32
      %sign3A_397 = arith.extui %sign3A_396 : i1 to i32
      %sign3A_398 = arith.constant 0 : i32
      %sign3A_399 = arith.cmpi slt, %add3A_321, %sign3A_398 : i32
      %sign3A_400 = arith.extui %sign3A_399 : i1 to i32
      %sign3A_401 = arith.subi %sign3A_397, %sign3A_400 : i32
      %sign3A_402 = arith.constant 0 : i32
      %sign3A_403 = arith.cmpi sgt, %jit3A_393, %sign3A_402 : i32
      %sign3A_404 = arith.extui %sign3A_403 : i1 to i32
      %sign3A_405 = arith.constant 0 : i32
      %sign3A_406 = arith.cmpi slt, %jit3A_393, %sign3A_405 : i32
      %sign3A_407 = arith.extui %sign3A_406 : i1 to i32
      %sign3A_408 = arith.subi %sign3A_404, %sign3A_407 : i32
      %ne3A_409 = arith.cmpi ne, %sign3A_401, %sign3A_408 : i32
      %rem3A_410 = arith.remsi %add3A_321, %jit3A_393 : i32
      %ne3A_411 = arith.constant 0 : i32
      %ne3A_412 = arith.cmpi ne, %rem3A_410, %ne3A_411 : i32
      %and3A_413 = arith.andi %ne3A_409, %ne3A_412 : i1
      %sub3A_414 = arith.constant 1 : i32
      %sub3A_415 = arith.subi %div3A_394, %sub3A_414 : i32
      %select_n3A_416 = arith.select %and3A_413, %sub3A_415, %div3A_394 : i32
      %jit3A_417 = arith.constant 2 : i32
      %eq3A_418 = arith.constant 0 : i32
      %eq3A_419 = arith.cmpi eq, %jit3A_417, %eq3A_418 : i32
      %jit3A_420 = arith.constant 1 : i32
      %select_n3A_421 = arith.select %eq3A_419, %jit3A_420, %jit3A_417 : i32
      %rem3A_422 = arith.remsi %add3A_321, %select_n3A_421 : i32
      %ne3A_423 = arith.constant 0 : i32
      %ne3A_424 = arith.cmpi ne, %rem3A_422, %ne3A_423 : i32
      %lt3A_425 = arith.constant 0 : i32
      %lt3A_426 = arith.cmpi slt, %rem3A_422, %lt3A_425 : i32
      %lt3A_427 = arith.constant 0 : i32
      %lt3A_428 = arith.cmpi slt, %select_n3A_421, %lt3A_427 : i32
      %ne3A_429 = arith.xori %lt3A_426, %lt3A_428 : i1
      %and3A_430 = arith.andi %ne3A_429, %ne3A_424 : i1
      %add3A_431 = arith.addi %rem3A_422, %select_n3A_421 : i32
      %select_n3A_432 = arith.select %and3A_430, %add3A_431, %rem3A_422 : i32
      %mul3A_433 = arith.constant 128 : i32
      %mul3A_434 = arith.muli %add3A, %mul3A_433 : i32
      %mul3A_435 = arith.constant 8 : i32
      %mul3A_436 = arith.muli %select_n3A_416, %mul3A_435 : i32
      %add3A_437 = arith.addi %mul3A_434, %mul3A_436 : i32
      %mul3A_438 = arith.constant 128 : i32
      %mul3A_439 = arith.muli %select_n3A_432, %mul3A_438 : i32
      %dma_start3A_440 = arith.constant 0 : i32
      %dma_start3A_441 = arith.constant 0 : i32
      %dma_start3A_442 = arith.constant 0 : i32
      %dma_start3A_443 = arith.constant 0 : i32
      %dma_start3A_444 = tpu.memref_slice %arg5[%dma_start3A_440, %dma_start3A_441, %dma_start3A_442, %dma_start3A_443] : memref<2x49x8x128xf32, #tpu.memory_space<vmem>> -> memref<1x49x8x128xf32, #tpu.memory_space<vmem>>
      %dma_start3A_445 = tpu.memref_squeeze %dma_start3A_444 : memref<1x49x8x128xf32, #tpu.memory_space<vmem>> -> memref<49x8x128xf32, #tpu.memory_space<vmem>>
      %dma_start3A_446 = arith.constant 0 : i32
      %dma_start3A_447 = tpu.memref_slice %arg3[%dma_start3A_446, %add3A_437, %mul3A_439] : memref<49x4096x256xf32, #tpu.memory_space<hbm>> -> memref<49x8x128xf32, #tpu.memory_space<hbm>>
      %dma_start3A_448 = arith.constant 0 : i32
      %dma_start3A_449 = tpu.memref_slice %arg3[%dma_start3A_448, %add3A_437, %mul3A_439] : memref<49x4096x256xf32, #tpu.memory_space<hbm>> -> memref<49x8x128xf32, #tpu.memory_space<hbm>>
      %dma_start3A_450 = arith.constant 0 : i32
      %dma_start3A_451 = arith.constant 0 : i32
      %dma_start3A_452 = arith.constant 0 : i32
      %dma_start3A_453 = tpu.memref_slice %arg5[%dma_start3A_440, %dma_start3A_450, %dma_start3A_451, %dma_start3A_452] : memref<2x49x8x128xf32, #tpu.memory_space<vmem>> -> memref<1x49x8x128xf32, #tpu.memory_space<vmem>>
      %dma_start3A_454 = tpu.memref_squeeze %dma_start3A_453 : memref<1x49x8x128xf32, #tpu.memory_space<vmem>> -> memref<49x8x128xf32, #tpu.memory_space<vmem>>
      tpu.enqueue_dma source(%dma_start3A_454 : memref<49x8x128xf32, #tpu.memory_space<vmem>>) target(%dma_start3A_449 : memref<49x8x128xf32, #tpu.memory_space<hbm>>) target_semaphore(%arg9 : memref<!tpu.dma_semaphore, #tpu.memory_space<semaphore_mem>>)
      %mul3A_455 = arith.constant 2 : i32
      %mul3A_456 = arith.muli %scan3A_317, %mul3A_455 : i32
      %add3A_457 = arith.constant 1 : i32
      %add3A_458 = arith.addi %mul3A_456, %add3A_457 : i32
      %jit3A_459 = arith.constant 2 : i32
      %div3A_460 = arith.divsi %add3A_458, %jit3A_459 : i32
      %sign3A_461 = arith.constant 0 : i32
      %sign3A_462 = arith.cmpi sgt, %add3A_458, %sign3A_461 : i32
      %sign3A_463 = arith.extui %sign3A_462 : i1 to i32
      %sign3A_464 = arith.constant 0 : i32
      %sign3A_465 = arith.cmpi slt, %add3A_458, %sign3A_464 : i32
      %sign3A_466 = arith.extui %sign3A_465 : i1 to i32
      %sign3A_467 = arith.subi %sign3A_463, %sign3A_466 : i32
      %sign3A_468 = arith.constant 0 : i32
      %sign3A_469 = arith.cmpi sgt, %jit3A_459, %sign3A_468 : i32
      %sign3A_470 = arith.extui %sign3A_469 : i1 to i32
      %sign3A_471 = arith.constant 0 : i32
      %sign3A_472 = arith.cmpi slt, %jit3A_459, %sign3A_471 : i32
      %sign3A_473 = arith.extui %sign3A_472 : i1 to i32
      %sign3A_474 = arith.subi %sign3A_470, %sign3A_473 : i32
      %ne3A_475 = arith.cmpi ne, %sign3A_467, %sign3A_474 : i32
      %rem3A_476 = arith.remsi %add3A_458, %jit3A_459 : i32
      %ne3A_477 = arith.constant 0 : i32
      %ne3A_478 = arith.cmpi ne, %rem3A_476, %ne3A_477 : i32
      %and3A_479 = arith.andi %ne3A_475, %ne3A_478 : i1
      %sub3A_480 = arith.constant 1 : i32
      %sub3A_481 = arith.subi %div3A_460, %sub3A_480 : i32
      %select_n3A_482 = arith.select %and3A_479, %sub3A_481, %div3A_460 : i32
      %jit3A_483 = arith.constant 2 : i32
      %eq3A_484 = arith.constant 0 : i32
      %eq3A_485 = arith.cmpi eq, %jit3A_483, %eq3A_484 : i32
      %jit3A_486 = arith.constant 1 : i32
      %select_n3A_487 = arith.select %eq3A_485, %jit3A_486, %jit3A_483 : i32
      %rem3A_488 = arith.remsi %add3A_458, %select_n3A_487 : i32
      %ne3A_489 = arith.constant 0 : i32
      %ne3A_490 = arith.cmpi ne, %rem3A_488, %ne3A_489 : i32
      %lt3A_491 = arith.constant 0 : i32
      %lt3A_492 = arith.cmpi slt, %rem3A_488, %lt3A_491 : i32
      %lt3A_493 = arith.constant 0 : i32
      %lt3A_494 = arith.cmpi slt, %select_n3A_487, %lt3A_493 : i32
      %ne3A_495 = arith.xori %lt3A_492, %lt3A_494 : i1
      %and3A_496 = arith.andi %ne3A_495, %ne3A_490 : i1
      %add3A_497 = arith.addi %rem3A_488, %select_n3A_487 : i32
      %select_n3A_498 = arith.select %and3A_496, %add3A_497, %rem3A_488 : i32
      %mul3A_499 = arith.constant 128 : i32
      %mul3A_500 = arith.muli %add3A, %mul3A_499 : i32
      %mul3A_501 = arith.constant 8 : i32
      %mul3A_502 = arith.muli %select_n3A_482, %mul3A_501 : i32
      %add3A_503 = arith.addi %mul3A_500, %mul3A_502 : i32
      %mul3A_504 = arith.constant 128 : i32
      %mul3A_505 = arith.muli %select_n3A_498, %mul3A_504 : i32
      %dma_wait3A_506 = arith.constant 1 : i32
      %dma_wait3A_507 = arith.constant 0 : i32
      %dma_wait3A_508 = arith.constant 0 : i32
      %dma_wait3A_509 = arith.constant 0 : i32
      %dma_wait3A_510 = tpu.memref_slice %arg4[%dma_wait3A_506, %dma_wait3A_507, %dma_wait3A_508, %dma_wait3A_509] : memref<2x9x8x128xf32, #tpu.memory_space<vmem>> -> memref<1x9x8x128xf32, #tpu.memory_space<vmem>>
      %dma_wait3A_511 = tpu.memref_squeeze %dma_wait3A_510 : memref<1x9x8x128xf32, #tpu.memory_space<vmem>> -> memref<9x8x128xf32, #tpu.memory_space<vmem>>
      %dma_wait3A_512 = arith.constant 0 : i32
      %dma_wait3A_513 = tpu.memref_slice %arg2[%dma_wait3A_512, %add3A_503, %mul3A_505] : memref<9x4096x256xf32, #tpu.memory_space<hbm>> -> memref<9x8x128xf32, #tpu.memory_space<hbm>>
      %dma_wait3A_514 = arith.constant 0 : i32
      %dma_wait3A_515 = arith.constant 0 : i32
      %dma_wait3A_516 = arith.constant 0 : i32
      %dma_wait3A_517 = tpu.memref_slice %arg4[%dma_wait3A_506, %dma_wait3A_514, %dma_wait3A_515, %dma_wait3A_516] : memref<2x9x8x128xf32, #tpu.memory_space<vmem>> -> memref<1x9x8x128xf32, #tpu.memory_space<vmem>>
      %dma_wait3A_518 = tpu.memref_squeeze %dma_wait3A_517 : memref<1x9x8x128xf32, #tpu.memory_space<vmem>> -> memref<9x8x128xf32, #tpu.memory_space<vmem>>
      %dma_wait3A_519 = arith.constant 0 : i32
      %dma_wait3A_520 = tpu.memref_slice %arg2[%dma_wait3A_519, %add3A_503, %mul3A_505] : memref<9x4096x256xf32, #tpu.memory_space<hbm>> -> memref<9x8x128xf32, #tpu.memory_space<hbm>>
      tpu.wait_dma2 semaphore(%arg8 : memref<!tpu.dma_semaphore, #tpu.memory_space<semaphore_mem>>) src(%dma_wait3A_520 : memref<9x8x128xf32, #tpu.memory_space<hbm>>) dst(%dma_wait3A_518 : memref<9x8x128xf32, #tpu.memory_space<vmem>>)
      %gt3A_521 = arith.constant 0 : i32
      %gt3A_522 = arith.cmpi sgt, %scan3A_317, %gt3A_521 : i32
      %convert_element_type3A_523 = arith.extui %gt3A_522 : i1 to i32
      %cond3A_524 = arith.constant 0 : i32
      %cond3A_525 = arith.cmpi ne, %convert_element_type3A_523, %cond3A_524 : i32
      scf.if %cond3A_525 {
        %sub3A_601 = arith.constant 2 : i32
        %sub3A_602 = arith.subi %add3A_458, %sub3A_601 : i32
        %jit3A_603 = arith.constant 2 : i32
        %div3A_604 = arith.divsi %sub3A_602, %jit3A_603 : i32
        %sign3A_605 = arith.constant 0 : i32
        %sign3A_606 = arith.cmpi sgt, %sub3A_602, %sign3A_605 : i32
        %sign3A_607 = arith.extui %sign3A_606 : i1 to i32
        %sign3A_608 = arith.constant 0 : i32
        %sign3A_609 = arith.cmpi slt, %sub3A_602, %sign3A_608 : i32
        %sign3A_610 = arith.extui %sign3A_609 : i1 to i32
        %sign3A_611 = arith.subi %sign3A_607, %sign3A_610 : i32
        %sign3A_612 = arith.constant 0 : i32
        %sign3A_613 = arith.cmpi sgt, %jit3A_603, %sign3A_612 : i32
        %sign3A_614 = arith.extui %sign3A_613 : i1 to i32
        %sign3A_615 = arith.constant 0 : i32
        %sign3A_616 = arith.cmpi slt, %jit3A_603, %sign3A_615 : i32
        %sign3A_617 = arith.extui %sign3A_616 : i1 to i32
        %sign3A_618 = arith.subi %sign3A_614, %sign3A_617 : i32
        %ne3A_619 = arith.cmpi ne, %sign3A_611, %sign3A_618 : i32
        %rem3A_620 = arith.remsi %sub3A_602, %jit3A_603 : i32
        %ne3A_621 = arith.constant 0 : i32
        %ne3A_622 = arith.cmpi ne, %rem3A_620, %ne3A_621 : i32
        %and3A_623 = arith.andi %ne3A_619, %ne3A_622 : i1
        %sub3A_624 = arith.constant 1 : i32
        %sub3A_625 = arith.subi %div3A_604, %sub3A_624 : i32
        %select_n3A_626 = arith.select %and3A_623, %sub3A_625, %div3A_604 : i32
        %jit3A_627 = arith.constant 2 : i32
        %eq3A_628 = arith.constant 0 : i32
        %eq3A_629 = arith.cmpi eq, %jit3A_627, %eq3A_628 : i32
        %jit3A_630 = arith.constant 1 : i32
        %select_n3A_631 = arith.select %eq3A_629, %jit3A_630, %jit3A_627 : i32
        %rem3A_632 = arith.remsi %sub3A_602, %select_n3A_631 : i32
        %ne3A_633 = arith.constant 0 : i32
        %ne3A_634 = arith.cmpi ne, %rem3A_632, %ne3A_633 : i32
        %lt3A_635 = arith.constant 0 : i32
        %lt3A_636 = arith.cmpi slt, %rem3A_632, %lt3A_635 : i32
        %lt3A_637 = arith.constant 0 : i32
        %lt3A_638 = arith.cmpi slt, %select_n3A_631, %lt3A_637 : i32
        %ne3A_639 = arith.xori %lt3A_636, %lt3A_638 : i1
        %and3A_640 = arith.andi %ne3A_639, %ne3A_634 : i1
        %add3A_641 = arith.addi %rem3A_632, %select_n3A_631 : i32
        %select_n3A_642 = arith.select %and3A_640, %add3A_641, %rem3A_632 : i32
        %mul3A_643 = arith.constant 128 : i32
        %mul3A_644 = arith.muli %add3A, %mul3A_643 : i32
        %mul3A_645 = arith.constant 8 : i32
        %mul3A_646 = arith.muli %select_n3A_626, %mul3A_645 : i32
        %add3A_647 = arith.addi %mul3A_644, %mul3A_646 : i32
        %mul3A_648 = arith.constant 128 : i32
        %mul3A_649 = arith.muli %select_n3A_642, %mul3A_648 : i32
        %dma_wait3A_650 = arith.constant 1 : i32
        %dma_wait3A_651 = arith.constant 0 : i32
        %dma_wait3A_652 = arith.constant 0 : i32
        %dma_wait3A_653 = arith.constant 0 : i32
        %dma_wait3A_654 = tpu.memref_slice %arg5[%dma_wait3A_650, %dma_wait3A_651, %dma_wait3A_652, %dma_wait3A_653] : memref<2x49x8x128xf32, #tpu.memory_space<vmem>> -> memref<1x49x8x128xf32, #tpu.memory_space<vmem>>
        %dma_wait3A_655 = tpu.memref_squeeze %dma_wait3A_654 : memref<1x49x8x128xf32, #tpu.memory_space<vmem>> -> memref<49x8x128xf32, #tpu.memory_space<vmem>>
        %dma_wait3A_656 = arith.constant 0 : i32
        %dma_wait3A_657 = tpu.memref_slice %arg3[%dma_wait3A_656, %add3A_647, %mul3A_649] : memref<49x4096x256xf32, #tpu.memory_space<hbm>> -> memref<49x8x128xf32, #tpu.memory_space<hbm>>
        %dma_wait3A_658 = arith.constant 0 : i32
        %dma_wait3A_659 = tpu.memref_slice %arg3[%dma_wait3A_658, %add3A_647, %mul3A_649] : memref<49x4096x256xf32, #tpu.memory_space<hbm>> -> memref<49x8x128xf32, #tpu.memory_space<hbm>>
        %dma_wait3A_660 = arith.constant 0 : i32
        %dma_wait3A_661 = arith.constant 0 : i32
        %dma_wait3A_662 = arith.constant 0 : i32
        %dma_wait3A_663 = tpu.memref_slice %arg5[%dma_wait3A_650, %dma_wait3A_660, %dma_wait3A_661, %dma_wait3A_662] : memref<2x49x8x128xf32, #tpu.memory_space<vmem>> -> memref<1x49x8x128xf32, #tpu.memory_space<vmem>>
        %dma_wait3A_664 = tpu.memref_squeeze %dma_wait3A_663 : memref<1x49x8x128xf32, #tpu.memory_space<vmem>> -> memref<49x8x128xf32, #tpu.memory_space<vmem>>
        tpu.wait_dma2 semaphore(%arg10 : memref<!tpu.dma_semaphore, #tpu.memory_space<semaphore_mem>>) src(%dma_wait3A_664 : memref<49x8x128xf32, #tpu.memory_space<vmem>>) dst(%dma_wait3A_659 : memref<49x8x128xf32, #tpu.memory_space<hbm>>)
      } else {
      }
      %scan3A_526 = arith.constant 0 : i32
      %scan3A_527 = arith.constant 0 : i32
      %scan3A_528 = arith.constant 8 : i32
      %scan3A_529 = arith.addi %scan3A_527, %scan3A_528 : i32
      %scan3A_530 = arith.constant 1 : i32
      scf.for %scan3A_601 = %scan3A_527 to %scan3A_529 step %scan3A_530  : i32 {
        %scan3A_602 = arith.constant 0 : i32
        %scan3A_603 = arith.constant 8 : i32
        %scan3A_604 = arith.addi %scan3A_602, %scan3A_603 : i32
        %scan3A_605 = arith.constant 1 : i32
        scf.for %scan3A_607 = %scan3A_602 to %scan3A_604 step %scan3A_605  : i32 {
          %mul3A_608 = arith.constant 16 : i32
          %mul3A_609 = arith.muli %scan3A_607, %mul3A_608 : i32
          %get3A = arith.constant 1 : i32
          %get3A_610 = arith.constant 0 : i32
          %get3A_611 = arith.index_cast %get3A : i32 to index
          %get3A_612 = arith.index_cast %get3A_610 : i32 to index
          %get3A_613 = arith.index_cast %scan3A_601 : i32 to index
          %get3A_614 = arith.index_cast %mul3A_609 : i32 to index
          %get3A_615 = tpu.vector_load %arg4[%get3A_611, %get3A_612, %get3A_613, %get3A_614] {strides = array<i32>} : memref<2x9x8x128xf32, #tpu.memory_space<vmem>>, vector<16xf32>,
          %get3A_616 = arith.constant 1 : i32
          %get3A_617 = arith.constant 1 : i32
          %get3A_618 = arith.index_cast %get3A_616 : i32 to index
          %get3A_619 = arith.index_cast %get3A_617 : i32 to index
          %get3A_620 = arith.index_cast %scan3A_601 : i32 to index
          %get3A_621 = arith.index_cast %mul3A_609 : i32 to index
          %get3A_622 = tpu.vector_load %arg4[%get3A_618, %get3A_619, %get3A_620, %get3A_621] {strides = array<i32>} : memref<2x9x8x128xf32, #tpu.memory_space<vmem>>, vector<16xf32>,
          %get3A_623 = arith.constant 1 : i32
          %get3A_624 = arith.constant 2 : i32
          %get3A_625 = arith.index_cast %get3A_623 : i32 to index
          %get3A_626 = arith.index_cast %get3A_624 : i32 to index
          %get3A_627 = arith.index_cast %scan3A_601 : i32 to index
          %get3A_628 = arith.index_cast %mul3A_609 : i32 to index
          %get3A_629 = tpu.vector_load %arg4[%get3A_625, %get3A_626, %get3A_627, %get3A_628] {strides = array<i32>} : memref<2x9x8x128xf32, #tpu.memory_space<vmem>>, vector<16xf32>,
          %get3A_630 = arith.constant 1 : i32
          %get3A_631 = arith.constant 3 : i32
          %get3A_632 = arith.index_cast %get3A_630 : i32 to index
          %get3A_633 = arith.index_cast %get3A_631 : i32 to index
          %get3A_634 = arith.index_cast %scan3A_601 : i32 to index
          %get3A_635 = arith.index_cast %mul3A_609 : i32 to index
          %get3A_636 = tpu.vector_load %arg4[%get3A_632, %get3A_633, %get3A_634, %get3A_635] {strides = array<i32>} : memref<2x9x8x128xf32, #tpu.memory_space<vmem>>, vector<16xf32>,
          %get3A_637 = arith.constant 1 : i32
          %get3A_638 = arith.constant 4 : i32
          %get3A_639 = arith.index_cast %get3A_637 : i32 to index
          %get3A_640 = arith.index_cast %get3A_638 : i32 to index
          %get3A_641 = arith.index_cast %scan3A_601 : i32 to index
          %get3A_642 = arith.index_cast %mul3A_609 : i32 to index
          %get3A_643 = tpu.vector_load %arg4[%get3A_639, %get3A_640, %get3A_641, %get3A_642] {strides = array<i32>} : memref<2x9x8x128xf32, #tpu.memory_space<vmem>>, vector<16xf32>,
          %get3A_644 = arith.constant 1 : i32
          %get3A_645 = arith.constant 5 : i32
          %get3A_646 = arith.index_cast %get3A_644 : i32 to index
          %get3A_647 = arith.index_cast %get3A_645 : i32 to index
          %get3A_648 = arith.index_cast %scan3A_601 : i32 to index
          %get3A_649 = arith.index_cast %mul3A_609 : i32 to index
          %get3A_650 = tpu.vector_load %arg4[%get3A_646, %get3A_647, %get3A_648, %get3A_649] {strides = array<i32>} : memref<2x9x8x128xf32, #tpu.memory_space<vmem>>, vector<16xf32>,
          %get3A_651 = arith.constant 1 : i32
          %get3A_652 = arith.constant 6 : i32
          %get3A_653 = arith.index_cast %get3A_651 : i32 to index
          %get3A_654 = arith.index_cast %get3A_652 : i32 to index
          %get3A_655 = arith.index_cast %scan3A_601 : i32 to index
          %get3A_656 = arith.index_cast %mul3A_609 : i32 to index
          %get3A_657 = tpu.vector_load %arg4[%get3A_653, %get3A_654, %get3A_655, %get3A_656] {strides = array<i32>} : memref<2x9x8x128xf32, #tpu.memory_space<vmem>>, vector<16xf32>,
          %get3A_658 = arith.constant 1 : i32
          %get3A_659 = arith.constant 7 : i32
          %get3A_660 = arith.index_cast %get3A_658 : i32 to index
          %get3A_661 = arith.index_cast %get3A_659 : i32 to index
          %get3A_662 = arith.index_cast %scan3A_601 : i32 to index
          %get3A_663 = arith.index_cast %mul3A_609 : i32 to index
          %get3A_664 = tpu.vector_load %arg4[%get3A_660, %get3A_661, %get3A_662, %get3A_663] {strides = array<i32>} : memref<2x9x8x128xf32, #tpu.memory_space<vmem>>, vector<16xf32>,
          %get3A_665 = arith.constant 1 : i32
          %get3A_666 = arith.constant 8 : i32
          %get3A_667 = arith.index_cast %get3A_665 : i32 to index
          %get3A_668 = arith.index_cast %get3A_666 : i32 to index
          %get3A_669 = arith.index_cast %scan3A_601 : i32 to index
          %get3A_670 = arith.index_cast %mul3A_609 : i32 to index
          %get3A_671 = tpu.vector_load %arg4[%get3A_667, %get3A_668, %get3A_669, %get3A_670] {strides = array<i32>} : memref<2x9x8x128xf32, #tpu.memory_space<vmem>>, vector<16xf32>,
          %swap3A = arith.constant 1 : i32
          %swap3A_672 = arith.constant 8 : i32
          %swap3A_673 = arith.index_cast %swap3A : i32 to index
          %swap3A_674 = arith.index_cast %swap3A_672 : i32 to index
          %swap3A_675 = arith.index_cast %scan3A_601 : i32 to index
          %swap3A_676 = arith.index_cast %mul3A_609 : i32 to index
          %swap3A_677 = tpu.vector_load %arg5[%swap3A_673, %swap3A_674, %swap3A_675, %swap3A_676] {strides = array<i32>} : memref<2x49x8x128xf32, #tpu.memory_space<vmem>>, vector<16xf32>,
          tpu.vector_store %arg5[%swap3A_673, %swap3A_674, %swap3A_675, %swap3A_676], %get3A_615 {strides = array<i32>} : memref<2x49x8x128xf32, #tpu.memory_space<vmem>>, vector<16xf32>,
          %swap3A_678 = arith.constant 1 : i32
          %swap3A_679 = arith.constant 22 : i32
          %swap3A_680 = arith.index_cast %swap3A_678 : i32 to index
          %swap3A_681 = arith.index_cast %swap3A_679 : i32 to index
          %swap3A_682 = arith.index_cast %scan3A_601 : i32 to index
          %swap3A_683 = arith.index_cast %mul3A_609 : i32 to index
          %swap3A_684 = tpu.vector_load %arg5[%swap3A_680, %swap3A_681, %swap3A_682, %swap3A_683] {strides = array<i32>} : memref<2x49x8x128xf32, #tpu.memory_space<vmem>>, vector<16xf32>,
          tpu.vector_store %arg5[%swap3A_680, %swap3A_681, %swap3A_682, %swap3A_683], %get3A_636 {strides = array<i32>} : memref<2x49x8x128xf32, #tpu.memory_space<vmem>>, vector<16xf32>,
          %swap3A_685 = arith.constant 1 : i32
          %swap3A_686 = arith.constant 36 : i32
          %swap3A_687 = arith.index_cast %swap3A_685 : i32 to index
          %swap3A_688 = arith.index_cast %swap3A_686 : i32 to index
          %swap3A_689 = arith.index_cast %scan3A_601 : i32 to index
          %swap3A_690 = arith.index_cast %mul3A_609 : i32 to index
          %swap3A_691 = tpu.vector_load %arg5[%swap3A_687, %swap3A_688, %swap3A_689, %swap3A_690] {strides = array<i32>} : memref<2x49x8x128xf32, #tpu.memory_space<vmem>>, vector<16xf32>,
          tpu.vector_store %arg5[%swap3A_687, %swap3A_688, %swap3A_689, %swap3A_690], %get3A_657 {strides = array<i32>} : memref<2x49x8x128xf32, #tpu.memory_space<vmem>>, vector<16xf32>,
          %swap3A_692 = arith.constant 1 : i32
          %swap3A_693 = arith.constant 17 : i32
          %swap3A_694 = arith.index_cast %swap3A_692 : i32 to index
          %swap3A_695 = arith.index_cast %swap3A_693 : i32 to index
          %swap3A_696 = arith.index_cast %scan3A_601 : i32 to index
          %swap3A_697 = arith.index_cast %mul3A_609 : i32 to index
          %swap3A_698 = tpu.vector_load %arg5[%swap3A_694, %swap3A_695, %swap3A_696, %swap3A_697] {strides = array<i32>} : memref<2x49x8x128xf32, #tpu.memory_space<vmem>>, vector<16xf32>,
          tpu.vector_store %arg5[%swap3A_694, %swap3A_695, %swap3A_696, %swap3A_697], %get3A_622 {strides = array<i32>} : memref<2x49x8x128xf32, #tpu.memory_space<vmem>>, vector<16xf32>,
          %swap3A_699 = arith.constant 1 : i32
          %swap3A_700 = arith.constant 31 : i32
          %swap3A_701 = arith.index_cast %swap3A_699 : i32 to index
          %swap3A_702 = arith.index_cast %swap3A_700 : i32 to index
          %swap3A_703 = arith.index_cast %scan3A_601 : i32 to index
          %swap3A_704 = arith.index_cast %mul3A_609 : i32 to index
          %swap3A_705 = tpu.vector_load %arg5[%swap3A_701, %swap3A_702, %swap3A_703, %swap3A_704] {strides = array<i32>} : memref<2x49x8x128xf32, #tpu.memory_space<vmem>>, vector<16xf32>,
          tpu.vector_store %arg5[%swap3A_701, %swap3A_702, %swap3A_703, %swap3A_704], %get3A_643 {strides = array<i32>} : memref<2x49x8x128xf32, #tpu.memory_space<vmem>>, vector<16xf32>,
          %swap3A_706 = arith.constant 1 : i32
          %swap3A_707 = arith.constant 26 : i32
          %swap3A_708 = arith.index_cast %swap3A_706 : i32 to index
          %swap3A_709 = arith.index_cast %swap3A_707 : i32 to index
          %swap3A_710 = arith.index_cast %scan3A_601 : i32 to index
          %swap3A_711 = arith.index_cast %mul3A_609 : i32 to index
          %swap3A_712 = tpu.vector_load %arg5[%swap3A_708, %swap3A_709, %swap3A_710, %swap3A_711] {strides = array<i32>} : memref<2x49x8x128xf32, #tpu.memory_space<vmem>>, vector<16xf32>,
          tpu.vector_store %arg5[%swap3A_708, %swap3A_709, %swap3A_710, %swap3A_711], %get3A_650 {strides = array<i32>} : memref<2x49x8x128xf32, #tpu.memory_space<vmem>>, vector<16xf32>,
          %swap3A_713 = arith.constant 1 : i32
          %swap3A_714 = arith.constant 7 : i32
          %swap3A_715 = arith.index_cast %swap3A_713 : i32 to index
          %swap3A_716 = arith.index_cast %swap3A_714 : i32 to index
          %swap3A_717 = arith.index_cast %scan3A_601 : i32 to index
          %swap3A_718 = arith.index_cast %mul3A_609 : i32 to index
          %swap3A_719 = tpu.vector_load %arg5[%swap3A_715, %swap3A_716, %swap3A_717, %swap3A_718] {strides = array<i32>} : memref<2x49x8x128xf32, #tpu.memory_space<vmem>>, vector<16xf32>,
          tpu.vector_store %arg5[%swap3A_715, %swap3A_716, %swap3A_717, %swap3A_718], %get3A_615 {strides = array<i32>} : memref<2x49x8x128xf32, #tpu.memory_space<vmem>>, vector<16xf32>,
          %swap3A_720 = arith.constant 1 : i32
          %swap3A_721 = arith.constant 14 : i32
          %swap3A_722 = arith.index_cast %swap3A_720 : i32 to index
          %swap3A_723 = arith.index_cast %swap3A_721 : i32 to index
          %swap3A_724 = arith.index_cast %scan3A_601 : i32 to index
          %swap3A_725 = arith.index_cast %mul3A_609 : i32 to index
          %swap3A_726 = tpu.vector_load %arg5[%swap3A_722, %swap3A_723, %swap3A_724, %swap3A_725] {strides = array<i32>} : memref<2x49x8x128xf32, #tpu.memory_space<vmem>>, vector<16xf32>,
          tpu.vector_store %arg5[%swap3A_722, %swap3A_723, %swap3A_724, %swap3A_725], %get3A_615 {strides = array<i32>} : memref<2x49x8x128xf32, #tpu.memory_space<vmem>>, vector<16xf32>,
          %swap3A_727 = arith.constant 1 : i32
          %swap3A_728 = arith.constant 21 : i32
          %swap3A_729 = arith.index_cast %swap3A_727 : i32 to index
          %swap3A_730 = arith.index_cast %swap3A_728 : i32 to index
          %swap3A_731 = arith.index_cast %scan3A_601 : i32 to index
          %swap3A_732 = arith.index_cast %mul3A_609 : i32 to index
          %swap3A_733 = tpu.vector_load %arg5[%swap3A_729, %swap3A_730, %swap3A_731, %swap3A_732] {strides = array<i32>} : memref<2x49x8x128xf32, #tpu.memory_space<vmem>>, vector<16xf32>,
          tpu.vector_store %arg5[%swap3A_729, %swap3A_730, %swap3A_731, %swap3A_732], %get3A_636 {strides = array<i32>} : memref<2x49x8x128xf32, #tpu.memory_space<vmem>>, vector<16xf32>,
          %swap3A_734 = arith.constant 1 : i32
          %swap3A_735 = arith.constant 28 : i32
          %swap3A_736 = arith.index_cast %swap3A_734 : i32 to index
          %swap3A_737 = arith.index_cast %swap3A_735 : i32 to index
          %swap3A_738 = arith.index_cast %scan3A_601 : i32 to index
          %swap3A_739 = arith.index_cast %mul3A_609 : i32 to index
          %swap3A_740 = tpu.vector_load %arg5[%swap3A_736, %swap3A_737, %swap3A_738, %swap3A_739] {strides = array<i32>} : memref<2x49x8x128xf32, #tpu.memory_space<vmem>>, vector<16xf32>,
          tpu.vector_store %arg5[%swap3A_736, %swap3A_737, %swap3A_738, %swap3A_739], %get3A_636 {strides = array<i32>} : memref<2x49x8x128xf32, #tpu.memory_space<vmem>>, vector<16xf32>,
          %swap3A_741 = arith.constant 1 : i32
          %swap3A_742 = arith.constant 35 : i32
          %swap3A_743 = arith.index_cast %swap3A_741 : i32 to index
          %swap3A_744 = arith.index_cast %swap3A_742 : i32 to index
          %swap3A_745 = arith.index_cast %scan3A_601 : i32 to index
          %swap3A_746 = arith.index_cast %mul3A_609 : i32 to index
          %swap3A_747 = tpu.vector_load %arg5[%swap3A_743, %swap3A_744, %swap3A_745, %swap3A_746] {strides = array<i32>} : memref<2x49x8x128xf32, #tpu.memory_space<vmem>>, vector<16xf32>,
          tpu.vector_store %arg5[%swap3A_743, %swap3A_744, %swap3A_745, %swap3A_746], %get3A_657 {strides = array<i32>} : memref<2x49x8x128xf32, #tpu.memory_space<vmem>>, vector<16xf32>,
          %swap3A_748 = arith.constant 1 : i32
          %swap3A_749 = arith.constant 42 : i32
          %swap3A_750 = arith.index_cast %swap3A_748 : i32 to index
          %swap3A_751 = arith.index_cast %swap3A_749 : i32 to index
          %swap3A_752 = arith.index_cast %scan3A_601 : i32 to index
          %swap3A_753 = arith.index_cast %mul3A_609 : i32 to index
          %swap3A_754 = tpu.vector_load %arg5[%swap3A_750, %swap3A_751, %swap3A_752, %swap3A_753] {strides = array<i32>} : memref<2x49x8x128xf32, #tpu.memory_space<vmem>>, vector<16xf32>,
          tpu.vector_store %arg5[%swap3A_750, %swap3A_751, %swap3A_752, %swap3A_753], %get3A_657 {strides = array<i32>} : memref<2x49x8x128xf32, #tpu.memory_space<vmem>>, vector<16xf32>,
          %swap3A_755 = arith.constant 1 : i32
          %swap3A_756 = arith.constant 9 : i32
          %swap3A_757 = arith.index_cast %swap3A_755 : i32 to index
          %swap3A_758 = arith.index_cast %swap3A_756 : i32 to index
          %swap3A_759 = arith.index_cast %scan3A_601 : i32 to index
          %swap3A_760 = arith.index_cast %mul3A_609 : i32 to index
          %swap3A_761 = tpu.vector_load %arg5[%swap3A_757, %swap3A_758, %swap3A_759, %swap3A_760] {strides = array<i32>} : memref<2x49x8x128xf32, #tpu.memory_space<vmem>>, vector<16xf32>,
          tpu.vector_store %arg5[%swap3A_757, %swap3A_758, %swap3A_759, %swap3A_760], %get3A_615 {strides = array<i32>} : memref<2x49x8x128xf32, #tpu.memory_space<vmem>>, vector<16xf32>,
          %swap3A_762 = arith.constant 1 : i32
          %swap3A_763 = arith.constant 44 : i32
          %swap3A_764 = arith.index_cast %swap3A_762 : i32 to index
          %swap3A_765 = arith.index_cast %swap3A_763 : i32 to index
          %swap3A_766 = arith.index_cast %scan3A_601 : i32 to index
          %swap3A_767 = arith.index_cast %mul3A_609 : i32 to index
          %swap3A_768 = tpu.vector_load %arg5[%swap3A_764, %swap3A_765, %swap3A_766, %swap3A_767] {strides = array<i32>} : memref<2x49x8x128xf32, #tpu.memory_space<vmem>>, vector<16xf32>,
          tpu.vector_store %arg5[%swap3A_764, %swap3A_765, %swap3A_766, %swap3A_767], %get3A_657 {strides = array<i32>} : memref<2x49x8x128xf32, #tpu.memory_space<vmem>>, vector<16xf32>,
          %swap3A_769 = arith.constant 1 : i32
          %swap3A_770 = arith.constant 18 : i32
          %swap3A_771 = arith.index_cast %swap3A_769 : i32 to index
          %swap3A_772 = arith.index_cast %swap3A_770 : i32 to index
          %swap3A_773 = arith.index_cast %scan3A_601 : i32 to index
          %swap3A_774 = arith.index_cast %mul3A_609 : i32 to index
          %swap3A_775 = tpu.vector_load %arg5[%swap3A_771, %swap3A_772, %swap3A_773, %swap3A_774] {strides = array<i32>} : memref<2x49x8x128xf32, #tpu.memory_space<vmem>>, vector<16xf32>,
          tpu.vector_store %arg5[%swap3A_771, %swap3A_772, %swap3A_773, %swap3A_774], %get3A_622 {strides = array<i32>} : memref<2x49x8x128xf32, #tpu.memory_space<vmem>>, vector<16xf32>,
          %swap3A_776 = arith.constant 1 : i32
          %swap3A_777 = arith.constant 39 : i32
          %swap3A_778 = arith.index_cast %swap3A_776 : i32 to index
          %swap3A_779 = arith.index_cast %swap3A_777 : i32 to index
          %swap3A_780 = arith.index_cast %scan3A_601 : i32 to index
          %swap3A_781 = arith.index_cast %mul3A_609 : i32 to index
          %swap3A_782 = tpu.vector_load %arg5[%swap3A_778, %swap3A_779, %swap3A_780, %swap3A_781] {strides = array<i32>} : memref<2x49x8x128xf32, #tpu.memory_space<vmem>>, vector<16xf32>,
          tpu.vector_store %arg5[%swap3A_778, %swap3A_779, %swap3A_780, %swap3A_781], %get3A_643 {strides = array<i32>} : memref<2x49x8x128xf32, #tpu.memory_space<vmem>>, vector<16xf32>,
          %swap3A_783 = arith.constant 1 : i32
          %swap3A_784 = arith.constant 27 : i32
          %swap3A_785 = arith.index_cast %swap3A_783 : i32 to index
          %swap3A_786 = arith.index_cast %swap3A_784 : i32 to index
          %swap3A_787 = arith.index_cast %scan3A_601 : i32 to index
          %swap3A_788 = arith.index_cast %mul3A_609 : i32 to index
          %swap3A_789 = tpu.vector_load %arg5[%swap3A_785, %swap3A_786, %swap3A_787, %swap3A_788] {strides = array<i32>} : memref<2x49x8x128xf32, #tpu.memory_space<vmem>>, vector<16xf32>,
          tpu.vector_store %arg5[%swap3A_785, %swap3A_786, %swap3A_787, %swap3A_788], %get3A_650 {strides = array<i32>} : memref<2x49x8x128xf32, #tpu.memory_space<vmem>>, vector<16xf32>,
          %swap3A_790 = arith.constant 1 : i32
          %swap3A_791 = arith.constant 34 : i32
          %swap3A_792 = arith.index_cast %swap3A_790 : i32 to index
          %swap3A_793 = arith.index_cast %swap3A_791 : i32 to index
          %swap3A_794 = arith.index_cast %scan3A_601 : i32 to index
          %swap3A_795 = arith.index_cast %mul3A_609 : i32 to index
          %swap3A_796 = tpu.vector_load %arg5[%swap3A_792, %swap3A_793, %swap3A_794, %swap3A_795] {strides = array<i32>} : memref<2x49x8x128xf32, #tpu.memory_space<vmem>>, vector<16xf32>,
          tpu.vector_store %arg5[%swap3A_792, %swap3A_793, %swap3A_794, %swap3A_795], %get3A_650 {strides = array<i32>} : memref<2x49x8x128xf32, #tpu.memory_space<vmem>>, vector<16xf32>,
          %add3A_797 = arith.addf %get3A_615, %get3A_622 : vector<16xf32>
          %mul3A_798 = arith.mulf %add3A_797, %div3A_170 : vector<16xf32>
          %swap3A_799 = arith.constant 1 : i32
          %swap3A_800 = arith.constant 16 : i32
          %swap3A_801 = arith.index_cast %swap3A_799 : i32 to index
          %swap3A_802 = arith.index_cast %swap3A_800 : i32 to index
          %swap3A_803 = arith.index_cast %scan3A_601 : i32 to index
          %swap3A_804 = arith.index_cast %mul3A_609 : i32 to index
          %swap3A_805 = tpu.vector_load %arg5[%swap3A_801, %swap3A_802, %swap3A_803, %swap3A_804] {strides = array<i32>} : memref<2x49x8x128xf32, #tpu.memory_space<vmem>>, vector<16xf32>,
          tpu.vector_store %arg5[%swap3A_801, %swap3A_802, %swap3A_803, %swap3A_804], %mul3A_798 {strides = array<i32>} : memref<2x49x8x128xf32, #tpu.memory_space<vmem>>, vector<16xf32>,
          %add3A_806 = arith.addf %get3A_622, %get3A_636 : vector<16xf32>
          %mul3A_807 = arith.mulf %add3A_806, %div3A_177 : vector<16xf32>
          %swap3A_808 = arith.constant 1 : i32
          %swap3A_809 = arith.constant 23 : i32
          %swap3A_810 = arith.index_cast %swap3A_808 : i32 to index
          %swap3A_811 = arith.index_cast %swap3A_809 : i32 to index
          %swap3A_812 = arith.index_cast %scan3A_601 : i32 to index
          %swap3A_813 = arith.index_cast %mul3A_609 : i32 to index
          %swap3A_814 = tpu.vector_load %arg5[%swap3A_810, %swap3A_811, %swap3A_812, %swap3A_813] {strides = array<i32>} : memref<2x49x8x128xf32, #tpu.memory_space<vmem>>, vector<16xf32>,
          tpu.vector_store %arg5[%swap3A_810, %swap3A_811, %swap3A_812, %swap3A_813], %mul3A_807 {strides = array<i32>} : memref<2x49x8x128xf32, #tpu.memory_space<vmem>>, vector<16xf32>,
          %add3A_815 = arith.addf %get3A_636, %get3A_643 : vector<16xf32>
          %mul3A_816 = arith.mulf %add3A_815, %div3A_184 : vector<16xf32>
          %swap3A_817 = arith.constant 1 : i32
          %swap3A_818 = arith.constant 30 : i32
          %swap3A_819 = arith.index_cast %swap3A_817 : i32 to index
          %swap3A_820 = arith.index_cast %swap3A_818 : i32 to index
          %swap3A_821 = arith.index_cast %scan3A_601 : i32 to index
          %swap3A_822 = arith.index_cast %mul3A_609 : i32 to index
          %swap3A_823 = tpu.vector_load %arg5[%swap3A_819, %swap3A_820, %swap3A_821, %swap3A_822] {strides = array<i32>} : memref<2x49x8x128xf32, #tpu.memory_space<vmem>>, vector<16xf32>,
          tpu.vector_store %arg5[%swap3A_819, %swap3A_820, %swap3A_821, %swap3A_822], %mul3A_816 {strides = array<i32>} : memref<2x49x8x128xf32, #tpu.memory_space<vmem>>, vector<16xf32>,
          %add3A_824 = arith.addf %get3A_643, %get3A_657 : vector<16xf32>
          %mul3A_825 = arith.mulf %add3A_824, %div3A_191 : vector<16xf32>
          %swap3A_826 = arith.constant 1 : i32
          %swap3A_827 = arith.constant 37 : i32
          %swap3A_828 = arith.index_cast %swap3A_826 : i32 to index
          %swap3A_829 = arith.index_cast %swap3A_827 : i32 to index
          %swap3A_830 = arith.index_cast %scan3A_601 : i32 to index
          %swap3A_831 = arith.index_cast %mul3A_609 : i32 to index
          %swap3A_832 = tpu.vector_load %arg5[%swap3A_828, %swap3A_829, %swap3A_830, %swap3A_831] {strides = array<i32>} : memref<2x49x8x128xf32, #tpu.memory_space<vmem>>, vector<16xf32>,
          tpu.vector_store %arg5[%swap3A_828, %swap3A_829, %swap3A_830, %swap3A_831], %mul3A_825 {strides = array<i32>} : memref<2x49x8x128xf32, #tpu.memory_space<vmem>>, vector<16xf32>,
          %add3A_833 = arith.addf %get3A_622, %get3A_650 : vector<16xf32>
          %mul3A_834 = arith.mulf %add3A_833, %div3A_198 : vector<16xf32>
          %swap3A_835 = arith.constant 1 : i32
          %swap3A_836 = arith.constant 25 : i32
          %swap3A_837 = arith.index_cast %swap3A_835 : i32 to index
          %swap3A_838 = arith.index_cast %swap3A_836 : i32 to index
          %swap3A_839 = arith.index_cast %scan3A_601 : i32 to index
          %swap3A_840 = arith.index_cast %mul3A_609 : i32 to index
          %swap3A_841 = tpu.vector_load %arg5[%swap3A_837, %swap3A_838, %swap3A_839, %swap3A_840] {strides = array<i32>} : memref<2x49x8x128xf32, #tpu.memory_space<vmem>>, vector<16xf32>,
          tpu.vector_store %arg5[%swap3A_837, %swap3A_838, %swap3A_839, %swap3A_840], %mul3A_834 {strides = array<i32>} : memref<2x49x8x128xf32, #tpu.memory_space<vmem>>, vector<16xf32>,
          %add3A_842 = arith.addf %get3A_650, %get3A_643 : vector<16xf32>
          %mul3A_843 = arith.mulf %add3A_842, %div3A_205 : vector<16xf32>
          %swap3A_844 = arith.constant 1 : i32
          %swap3A_845 = arith.constant 32 : i32
          %swap3A_846 = arith.index_cast %swap3A_844 : i32 to index
          %swap3A_847 = arith.index_cast %swap3A_845 : i32 to index
          %swap3A_848 = arith.index_cast %scan3A_601 : i32 to index
          %swap3A_849 = arith.index_cast %mul3A_609 : i32 to index
          %swap3A_850 = tpu.vector_load %arg5[%swap3A_846, %swap3A_847, %swap3A_848, %swap3A_849] {strides = array<i32>} : memref<2x49x8x128xf32, #tpu.memory_space<vmem>>, vector<16xf32>,
          tpu.vector_store %arg5[%swap3A_846, %swap3A_847, %swap3A_848, %swap3A_849], %mul3A_843 {strides = array<i32>} : memref<2x49x8x128xf32, #tpu.memory_space<vmem>>, vector<16xf32>,
          %add3A_851 = arith.addf %get3A_615, %get3A_615 : vector<16xf32>
          %mul3A_852 = arith.mulf %add3A_851, %div3A_212 : vector<16xf32>
          %swap3A_853 = arith.constant 1 : i32
          %swap3A_854 = arith.constant 1 : i32
          %swap3A_855 = arith.index_cast %swap3A_853 : i32 to index
          %swap3A_856 = arith.index_cast %swap3A_854 : i32 to index
          %swap3A_857 = arith.index_cast %scan3A_601 : i32 to index
          %swap3A_858 = arith.index_cast %mul3A_609 : i32 to index
          %swap3A_859 = tpu.vector_load %arg5[%swap3A_855, %swap3A_856, %swap3A_857, %swap3A_858] {strides = array<i32>} : memref<2x49x8x128xf32, #tpu.memory_space<vmem>>, vector<16xf32>,
          tpu.vector_store %arg5[%swap3A_855, %swap3A_856, %swap3A_857, %swap3A_858], %mul3A_852 {strides = array<i32>} : memref<2x49x8x128xf32, #tpu.memory_space<vmem>>, vector<16xf32>,
          %add3A_860 = arith.addf %get3A_636, %get3A_615 : vector<16xf32>
          %mul3A_861 = arith.mulf %add3A_860, %div3A_219 : vector<16xf32>
          %swap3A_862 = arith.constant 1 : i32
          %swap3A_863 = arith.constant 15 : i32
          %swap3A_864 = arith.index_cast %swap3A_862 : i32 to index
          %swap3A_865 = arith.index_cast %swap3A_863 : i32 to index
          %swap3A_866 = arith.index_cast %scan3A_601 : i32 to index
          %swap3A_867 = arith.index_cast %mul3A_609 : i32 to index
          %swap3A_868 = tpu.vector_load %arg5[%swap3A_864, %swap3A_865, %swap3A_866, %swap3A_867] {strides = array<i32>} : memref<2x49x8x128xf32, #tpu.memory_space<vmem>>, vector<16xf32>,
          tpu.vector_store %arg5[%swap3A_864, %swap3A_865, %swap3A_866, %swap3A_867], %mul3A_861 {strides = array<i32>} : memref<2x49x8x128xf32, #tpu.memory_space<vmem>>, vector<16xf32>,
          %add3A_869 = arith.addf %get3A_657, %get3A_636 : vector<16xf32>
          %mul3A_870 = arith.mulf %add3A_869, %div3A_226 : vector<16xf32>
          %swap3A_871 = arith.constant 1 : i32
          %swap3A_872 = arith.constant 29 : i32
          %swap3A_873 = arith.index_cast %swap3A_871 : i32 to index
          %swap3A_874 = arith.index_cast %swap3A_872 : i32 to index
          %swap3A_875 = arith.index_cast %scan3A_601 : i32 to index
          %swap3A_876 = arith.index_cast %mul3A_609 : i32 to index
          %swap3A_877 = tpu.vector_load %arg5[%swap3A_873, %swap3A_874, %swap3A_875, %swap3A_876] {strides = array<i32>} : memref<2x49x8x128xf32, #tpu.memory_space<vmem>>, vector<16xf32>,
          tpu.vector_store %arg5[%swap3A_873, %swap3A_874, %swap3A_875, %swap3A_876], %mul3A_870 {strides = array<i32>} : memref<2x49x8x128xf32, #tpu.memory_space<vmem>>, vector<16xf32>,
          %add3A_878 = arith.addf %get3A_657, %get3A_657 : vector<16xf32>
          %mul3A_879 = arith.mulf %add3A_878, %div3A_233 : vector<16xf32>
          %swap3A_880 = arith.constant 1 : i32
          %swap3A_881 = arith.constant 43 : i32
          %swap3A_882 = arith.index_cast %swap3A_880 : i32 to index
          %swap3A_883 = arith.index_cast %swap3A_881 : i32 to index
          %swap3A_884 = arith.index_cast %scan3A_601 : i32 to index
          %swap3A_885 = arith.index_cast %mul3A_609 : i32 to index
          %swap3A_886 = tpu.vector_load %arg5[%swap3A_882, %swap3A_883, %swap3A_884, %swap3A_885] {strides = array<i32>} : memref<2x49x8x128xf32, #tpu.memory_space<vmem>>, vector<16xf32>,
          tpu.vector_store %arg5[%swap3A_882, %swap3A_883, %swap3A_884, %swap3A_885], %mul3A_879 {strides = array<i32>} : memref<2x49x8x128xf32, #tpu.memory_space<vmem>>, vector<16xf32>,
          %add3A_887 = arith.addf %get3A_622, %get3A_622 : vector<16xf32>
          %mul3A_888 = arith.mulf %add3A_887, %div3A_240 : vector<16xf32>
          %swap3A_889 = arith.constant 1 : i32
          %swap3A_890 = arith.constant 10 : i32
          %swap3A_891 = arith.index_cast %swap3A_889 : i32 to index
          %swap3A_892 = arith.index_cast %swap3A_890 : i32 to index
          %swap3A_893 = arith.index_cast %scan3A_601 : i32 to index
          %swap3A_894 = arith.index_cast %mul3A_609 : i32 to index
          %swap3A_895 = tpu.vector_load %arg5[%swap3A_891, %swap3A_892, %swap3A_893, %swap3A_894] {strides = array<i32>} : memref<2x49x8x128xf32, #tpu.memory_space<vmem>>, vector<16xf32>,
          tpu.vector_store %arg5[%swap3A_891, %swap3A_892, %swap3A_893, %swap3A_894], %mul3A_888 {strides = array<i32>} : memref<2x49x8x128xf32, #tpu.memory_space<vmem>>, vector<16xf32>,
          %add3A_896 = arith.addf %get3A_643, %get3A_622 : vector<16xf32>
          %mul3A_897 = arith.mulf %add3A_896, %div3A_247 : vector<16xf32>
          %swap3A_898 = arith.constant 1 : i32
          %swap3A_899 = arith.constant 24 : i32
          %swap3A_900 = arith.index_cast %swap3A_898 : i32 to index
          %swap3A_901 = arith.index_cast %swap3A_899 : i32 to index
          %swap3A_902 = arith.index_cast %scan3A_601 : i32 to index
          %swap3A_903 = arith.index_cast %mul3A_609 : i32 to index
          %swap3A_904 = tpu.vector_load %arg5[%swap3A_900, %swap3A_901, %swap3A_902, %swap3A_903] {strides = array<i32>} : memref<2x49x8x128xf32, #tpu.memory_space<vmem>>, vector<16xf32>,
          tpu.vector_store %arg5[%swap3A_900, %swap3A_901, %swap3A_902, %swap3A_903], %mul3A_897 {strides = array<i32>} : memref<2x49x8x128xf32, #tpu.memory_space<vmem>>, vector<16xf32>,
          %add3A_905 = arith.addf %get3A_664, %get3A_643 : vector<16xf32>
          %mul3A_906 = arith.mulf %add3A_905, %div3A_254 : vector<16xf32>
          %swap3A_907 = arith.constant 1 : i32
          %swap3A_908 = arith.constant 38 : i32
          %swap3A_909 = arith.index_cast %swap3A_907 : i32 to index
          %swap3A_910 = arith.index_cast %swap3A_908 : i32 to index
          %swap3A_911 = arith.index_cast %scan3A_601 : i32 to index
          %swap3A_912 = arith.index_cast %mul3A_609 : i32 to index
          %swap3A_913 = tpu.vector_load %arg5[%swap3A_909, %swap3A_910, %swap3A_911, %swap3A_912] {strides = array<i32>} : memref<2x49x8x128xf32, #tpu.memory_space<vmem>>, vector<16xf32>,
          tpu.vector_store %arg5[%swap3A_909, %swap3A_910, %swap3A_911, %swap3A_912], %mul3A_906 {strides = array<i32>} : memref<2x49x8x128xf32, #tpu.memory_space<vmem>>, vector<16xf32>,
          %add3A_914 = arith.addf %get3A_650, %get3A_629 : vector<16xf32>
          %mul3A_915 = arith.mulf %add3A_914, %div3A_261 : vector<16xf32>
          %swap3A_916 = arith.constant 1 : i32
          %swap3A_917 = arith.constant 19 : i32
          %swap3A_918 = arith.index_cast %swap3A_916 : i32 to index
          %swap3A_919 = arith.index_cast %swap3A_917 : i32 to index
          %swap3A_920 = arith.index_cast %scan3A_601 : i32 to index
          %swap3A_921 = arith.index_cast %mul3A_609 : i32 to index
          %swap3A_922 = tpu.vector_load %arg5[%swap3A_918, %swap3A_919, %swap3A_920, %swap3A_921] {strides = array<i32>} : memref<2x49x8x128xf32, #tpu.memory_space<vmem>>, vector<16xf32>,
          tpu.vector_store %arg5[%swap3A_918, %swap3A_919, %swap3A_920, %swap3A_921], %mul3A_915 {strides = array<i32>} : memref<2x49x8x128xf32, #tpu.memory_space<vmem>>, vector<16xf32>,
          %add3A_923 = arith.addf %get3A_671, %get3A_650 : vector<16xf32>
          %mul3A_924 = arith.mulf %add3A_923, %div3A_268 : vector<16xf32>
          %swap3A_925 = arith.constant 1 : i32
          %swap3A_926 = arith.constant 33 : i32
          %swap3A_927 = arith.index_cast %swap3A_925 : i32 to index
          %swap3A_928 = arith.index_cast %swap3A_926 : i32 to index
          %swap3A_929 = arith.index_cast %scan3A_601 : i32 to index
          %swap3A_930 = arith.index_cast %mul3A_609 : i32 to index
          %swap3A_931 = tpu.vector_load %arg5[%swap3A_927, %swap3A_928, %swap3A_929, %swap3A_930] {strides = array<i32>} : memref<2x49x8x128xf32, #tpu.memory_space<vmem>>, vector<16xf32>,
          tpu.vector_store %arg5[%swap3A_927, %swap3A_928, %swap3A_929, %swap3A_930], %mul3A_924 {strides = array<i32>} : memref<2x49x8x128xf32, #tpu.memory_space<vmem>>, vector<16xf32>,
        }
        %scan3A_606 = arith.constant 8 : i32
      }
      %scan3A_531 = arith.constant 8 : i32
      %add3A_532 = arith.constant 2 : i32
      %add3A_533 = arith.addi %add3A_458, %add3A_532 : i32
      %lt3A_534 = arith.constant 32 : i32
      %lt3A_535 = arith.cmpi slt, %add3A_533, %lt3A_534 : i32
      %convert_element_type3A_536 = arith.extui %lt3A_535 : i1 to i32
      %cond3A_537 = arith.constant 0 : i32
      %cond3A_538 = arith.cmpi ne, %convert_element_type3A_536, %cond3A_537 : i32
      scf.if %cond3A_538 {
        %add3A_601 = arith.constant 2 : i32
        %add3A_602 = arith.addi %add3A_458, %add3A_601 : i32
        %jit3A_603 = arith.constant 2 : i32
        %div3A_604 = arith.divsi %add3A_602, %jit3A_603 : i32
        %sign3A_605 = arith.constant 0 : i32
        %sign3A_606 = arith.cmpi sgt, %add3A_602, %sign3A_605 : i32
        %sign3A_607 = arith.extui %sign3A_606 : i1 to i32
        %sign3A_608 = arith.constant 0 : i32
        %sign3A_609 = arith.cmpi slt, %add3A_602, %sign3A_608 : i32
        %sign3A_610 = arith.extui %sign3A_609 : i1 to i32
        %sign3A_611 = arith.subi %sign3A_607, %sign3A_610 : i32
        %sign3A_612 = arith.constant 0 : i32
        %sign3A_613 = arith.cmpi sgt, %jit3A_603, %sign3A_612 : i32
        %sign3A_614 = arith.extui %sign3A_613 : i1 to i32
        %sign3A_615 = arith.constant 0 : i32
        %sign3A_616 = arith.cmpi slt, %jit3A_603, %sign3A_615 : i32
        %sign3A_617 = arith.extui %sign3A_616 : i1 to i32
        %sign3A_618 = arith.subi %sign3A_614, %sign3A_617 : i32
        %ne3A_619 = arith.cmpi ne, %sign3A_611, %sign3A_618 : i32
        %rem3A_620 = arith.remsi %add3A_602, %jit3A_603 : i32
        %ne3A_621 = arith.constant 0 : i32
        %ne3A_622 = arith.cmpi ne, %rem3A_620, %ne3A_621 : i32
        %and3A_623 = arith.andi %ne3A_619, %ne3A_622 : i1
        %sub3A_624 = arith.constant 1 : i32
        %sub3A_625 = arith.subi %div3A_604, %sub3A_624 : i32
        %select_n3A_626 = arith.select %and3A_623, %sub3A_625, %div3A_604 : i32
        %jit3A_627 = arith.constant 2 : i32
        %eq3A_628 = arith.constant 0 : i32
        %eq3A_629 = arith.cmpi eq, %jit3A_627, %eq3A_628 : i32
        %jit3A_630 = arith.constant 1 : i32
        %select_n3A_631 = arith.select %eq3A_629, %jit3A_630, %jit3A_627 : i32
        %rem3A_632 = arith.remsi %add3A_602, %select_n3A_631 : i32
        %ne3A_633 = arith.constant 0 : i32
        %ne3A_634 = arith.cmpi ne, %rem3A_632, %ne3A_633 : i32
        %lt3A_635 = arith.constant 0 : i32
        %lt3A_636 = arith.cmpi slt, %rem3A_632, %lt3A_635 : i32
        %lt3A_637 = arith.constant 0 : i32
        %lt3A_638 = arith.cmpi slt, %select_n3A_631, %lt3A_637 : i32
        %ne3A_639 = arith.xori %lt3A_636, %lt3A_638 : i1
        %and3A_640 = arith.andi %ne3A_639, %ne3A_634 : i1
        %add3A_641 = arith.addi %rem3A_632, %select_n3A_631 : i32
        %select_n3A_642 = arith.select %and3A_640, %add3A_641, %rem3A_632 : i32
        %mul3A_643 = arith.constant 128 : i32
        %mul3A_644 = arith.muli %add3A, %mul3A_643 : i32
        %mul3A_645 = arith.constant 8 : i32
        %mul3A_646 = arith.muli %select_n3A_626, %mul3A_645 : i32
        %add3A_647 = arith.addi %mul3A_644, %mul3A_646 : i32
        %mul3A_648 = arith.constant 128 : i32
        %mul3A_649 = arith.muli %select_n3A_642, %mul3A_648 : i32
        %dma_start3A_650 = arith.constant 1 : i32
        %dma_start3A_651 = arith.constant 0 : i32
        %dma_start3A_652 = arith.constant 0 : i32
        %dma_start3A_653 = arith.constant 0 : i32
        %dma_start3A_654 = tpu.memref_slice %arg4[%dma_start3A_650, %dma_start3A_651, %dma_start3A_652, %dma_start3A_653] : memref<2x9x8x128xf32, #tpu.memory_space<vmem>> -> memref<1x9x8x128xf32, #tpu.memory_space<vmem>>
        %dma_start3A_655 = tpu.memref_squeeze %dma_start3A_654 : memref<1x9x8x128xf32, #tpu.memory_space<vmem>> -> memref<9x8x128xf32, #tpu.memory_space<vmem>>
        %dma_start3A_656 = arith.constant 0 : i32
        %dma_start3A_657 = tpu.memref_slice %arg2[%dma_start3A_656, %add3A_647, %mul3A_649] : memref<9x4096x256xf32, #tpu.memory_space<hbm>> -> memref<9x8x128xf32, #tpu.memory_space<hbm>>
        %dma_start3A_658 = arith.constant 0 : i32
        %dma_start3A_659 = arith.constant 0 : i32
        %dma_start3A_660 = arith.constant 0 : i32
        %dma_start3A_661 = tpu.memref_slice %arg4[%dma_start3A_650, %dma_start3A_658, %dma_start3A_659, %dma_start3A_660] : memref<2x9x8x128xf32, #tpu.memory_space<vmem>> -> memref<1x9x8x128xf32, #tpu.memory_space<vmem>>
        %dma_start3A_662 = tpu.memref_squeeze %dma_start3A_661 : memref<1x9x8x128xf32, #tpu.memory_space<vmem>> -> memref<9x8x128xf32, #tpu.memory_space<vmem>>
        %dma_start3A_663 = arith.constant 0 : i32
        %dma_start3A_664 = tpu.memref_slice %arg2[%dma_start3A_663, %add3A_647, %mul3A_649] : memref<9x4096x256xf32, #tpu.memory_space<hbm>> -> memref<9x8x128xf32, #tpu.memory_space<hbm>>
        tpu.enqueue_dma source(%dma_start3A_664 : memref<9x8x128xf32, #tpu.memory_space<hbm>>) target(%dma_start3A_662 : memref<9x8x128xf32, #tpu.memory_space<vmem>>) target_semaphore(%arg8 : memref<!tpu.dma_semaphore, #tpu.memory_space<semaphore_mem>>)
      } else {
      }
      %jit3A_539 = arith.constant 2 : i32
      %div3A_540 = arith.divsi %add3A_458, %jit3A_539 : i32
      %sign3A_541 = arith.constant 0 : i32
      %sign3A_542 = arith.cmpi sgt, %add3A_458, %sign3A_541 : i32
      %sign3A_543 = arith.extui %sign3A_542 : i1 to i32
      %sign3A_544 = arith.constant 0 : i32
      %sign3A_545 = arith.cmpi slt, %add3A_458, %sign3A_544 : i32
      %sign3A_546 = arith.extui %sign3A_545 : i1 to i32
      %sign3A_547 = arith.subi %sign3A_543, %sign3A_546 : i32
      %sign3A_548 = arith.constant 0 : i32
      %sign3A_549 = arith.cmpi sgt, %jit3A_539, %sign3A_548 : i32
      %sign3A_550 = arith.extui %sign3A_549 : i1 to i32
      %sign3A_551 = arith.constant 0 : i32
      %sign3A_552 = arith.cmpi slt, %jit3A_539, %sign3A_551 : i32
      %sign3A_553 = arith.extui %sign3A_552 : i1 to i32
      %sign3A_554 = arith.subi %sign3A_550, %sign3A_553 : i32
      %ne3A_555 = arith.cmpi ne, %sign3A_547, %sign3A_554 : i32
      %rem3A_556 = arith.remsi %add3A_458, %jit3A_539 : i32
      %ne3A_557 = arith.constant 0 : i32
      %ne3A_558 = arith.cmpi ne, %rem3A_556, %ne3A_557 : i32
      %and3A_559 = arith.andi %ne3A_555, %ne3A_558 : i1
      %sub3A_560 = arith.constant 1 : i32
      %sub3A_561 = arith.subi %div3A_540, %sub3A_560 : i32
      %select_n3A_562 = arith.select %and3A_559, %sub3A_561, %div3A_540 : i32
      %jit3A_563 = arith.constant 2 : i32
      %eq3A_564 = arith.constant 0 : i32
      %eq3A_565 = arith.cmpi eq, %jit3A_563, %eq3A_564 : i32
      %jit3A_566 = arith.constant 1 : i32
      %select_n3A_567 = arith.select %eq3A_565, %jit3A_566, %jit3A_563 : i32
      %rem3A_568 = arith.remsi %add3A_458, %select_n3A_567 : i32
      %ne3A_569 = arith.constant 0 : i32
      %ne3A_570 = arith.cmpi ne, %rem3A_568, %ne3A_569 : i32
      %lt3A_571 = arith.constant 0 : i32
      %lt3A_572 = arith.cmpi slt, %rem3A_568, %lt3A_571 : i32
      %lt3A_573 = arith.constant 0 : i32
      %lt3A_574 = arith.cmpi slt, %select_n3A_567, %lt3A_573 : i32
      %ne3A_575 = arith.xori %lt3A_572, %lt3A_574 : i1
      %and3A_576 = arith.andi %ne3A_575, %ne3A_570 : i1
      %add3A_577 = arith.addi %rem3A_568, %select_n3A_567 : i32
      %select_n3A_578 = arith.select %and3A_576, %add3A_577, %rem3A_568 : i32
      %mul3A_579 = arith.constant 128 : i32
      %mul3A_580 = arith.muli %add3A, %mul3A_579 : i32
      %mul3A_581 = arith.constant 8 : i32
      %mul3A_582 = arith.muli %select_n3A_562, %mul3A_581 : i32
      %add3A_583 = arith.addi %mul3A_580, %mul3A_582 : i32
      %mul3A_584 = arith.constant 128 : i32
      %mul3A_585 = arith.muli %select_n3A_578, %mul3A_584 : i32
      %dma_start3A_586 = arith.constant 1 : i32
      %dma_start3A_587 = arith.constant 0 : i32
      %dma_start3A_588 = arith.constant 0 : i32
      %dma_start3A_589 = arith.constant 0 : i32
      %dma_start3A_590 = tpu.memref_slice %arg5[%dma_start3A_586, %dma_start3A_587, %dma_start3A_588, %dma_start3A_589] : memref<2x49x8x128xf32, #tpu.memory_space<vmem>> -> memref<1x49x8x128xf32, #tpu.memory_space<vmem>>
      %dma_start3A_591 = tpu.memref_squeeze %dma_start3A_590 : memref<1x49x8x128xf32, #tpu.memory_space<vmem>> -> memref<49x8x128xf32, #tpu.memory_space<vmem>>
      %dma_start3A_592 = arith.constant 0 : i32
      %dma_start3A_593 = tpu.memref_slice %arg3[%dma_start3A_592, %add3A_583, %mul3A_585] : memref<49x4096x256xf32, #tpu.memory_space<hbm>> -> memref<49x8x128xf32, #tpu.memory_space<hbm>>
      %dma_start3A_594 = arith.constant 0 : i32
      %dma_start3A_595 = tpu.memref_slice %arg3[%dma_start3A_594, %add3A_583, %mul3A_585] : memref<49x4096x256xf32, #tpu.memory_space<hbm>> -> memref<49x8x128xf32, #tpu.memory_space<hbm>>
      %dma_start3A_596 = arith.constant 0 : i32
      %dma_start3A_597 = arith.constant 0 : i32
      %dma_start3A_598 = arith.constant 0 : i32
      %dma_start3A_599 = tpu.memref_slice %arg5[%dma_start3A_586, %dma_start3A_596, %dma_start3A_597, %dma_start3A_598] : memref<2x49x8x128xf32, #tpu.memory_space<vmem>> -> memref<1x49x8x128xf32, #tpu.memory_space<vmem>>
      %dma_start3A_600 = tpu.memref_squeeze %dma_start3A_599 : memref<1x49x8x128xf32, #tpu.memory_space<vmem>> -> memref<49x8x128xf32, #tpu.memory_space<vmem>>
      tpu.enqueue_dma source(%dma_start3A_600 : memref<49x8x128xf32, #tpu.memory_space<vmem>>) target(%dma_start3A_595 : memref<49x8x128xf32, #tpu.memory_space<hbm>>) target_semaphore(%arg10 : memref<!tpu.dma_semaphore, #tpu.memory_space<semaphore_mem>>)
    }
    %scan3A_274 = arith.constant 16 : i32
    %mul3A_275 = arith.constant 128 : i32
    %mul3A_276 = arith.muli %add3A, %mul3A_275 : i32
    %add3A_277 = arith.constant 120 : i32
    %add3A_278 = arith.addi %mul3A_276, %add3A_277 : i32
    %dma_wait3A_279 = arith.constant 0 : i32
    %dma_wait3A_280 = arith.constant 0 : i32
    %dma_wait3A_281 = arith.constant 0 : i32
    %dma_wait3A_282 = arith.constant 0 : i32
    %dma_wait3A_283 = tpu.memref_slice %arg5[%dma_wait3A_279, %dma_wait3A_280, %dma_wait3A_281, %dma_wait3A_282] : memref<2x49x8x128xf32, #tpu.memory_space<vmem>> -> memref<1x49x8x128xf32, #tpu.memory_space<vmem>>
    %dma_wait3A_284 = tpu.memref_squeeze %dma_wait3A_283 : memref<1x49x8x128xf32, #tpu.memory_space<vmem>> -> memref<49x8x128xf32, #tpu.memory_space<vmem>>
    %dma_wait3A_285 = arith.constant 0 : i32
    %dma_wait3A_286 = arith.constant 0 : i32
    %dma_wait3A_287 = tpu.memref_slice %arg3[%dma_wait3A_285, %add3A_278, %dma_wait3A_286] : memref<49x4096x256xf32, #tpu.memory_space<hbm>> -> memref<49x8x128xf32, #tpu.memory_space<hbm>>
    %dma_wait3A_288 = arith.constant 0 : i32
    %dma_wait3A_289 = arith.constant 0 : i32
    %dma_wait3A_290 = tpu.memref_slice %arg3[%dma_wait3A_288, %add3A_278, %dma_wait3A_289] : memref<49x4096x256xf32, #tpu.memory_space<hbm>> -> memref<49x8x128xf32, #tpu.memory_space<hbm>>
    %dma_wait3A_291 = arith.constant 0 : i32
    %dma_wait3A_292 = arith.constant 0 : i32
    %dma_wait3A_293 = arith.constant 0 : i32
    %dma_wait3A_294 = tpu.memref_slice %arg5[%dma_wait3A_279, %dma_wait3A_291, %dma_wait3A_292, %dma_wait3A_293] : memref<2x49x8x128xf32, #tpu.memory_space<vmem>> -> memref<1x49x8x128xf32, #tpu.memory_space<vmem>>
    %dma_wait3A_295 = tpu.memref_squeeze %dma_wait3A_294 : memref<1x49x8x128xf32, #tpu.memory_space<vmem>> -> memref<49x8x128xf32, #tpu.memory_space<vmem>>
    tpu.wait_dma2 semaphore(%arg9 : memref<!tpu.dma_semaphore, #tpu.memory_space<semaphore_mem>>) src(%dma_wait3A_295 : memref<49x8x128xf32, #tpu.memory_space<vmem>>) dst(%dma_wait3A_290 : memref<49x8x128xf32, #tpu.memory_space<hbm>>)
    %mul3A_296 = arith.constant 128 : i32
    %mul3A_297 = arith.muli %add3A, %mul3A_296 : i32
    %add3A_298 = arith.constant 120 : i32
    %add3A_299 = arith.addi %mul3A_297, %add3A_298 : i32
    %dma_wait3A_300 = arith.constant 1 : i32
    %dma_wait3A_301 = arith.constant 0 : i32
    %dma_wait3A_302 = arith.constant 0 : i32
    %dma_wait3A_303 = arith.constant 0 : i32
    %dma_wait3A_304 = tpu.memref_slice %arg5[%dma_wait3A_300, %dma_wait3A_301, %dma_wait3A_302, %dma_wait3A_303] : memref<2x49x8x128xf32, #tpu.memory_space<vmem>> -> memref<1x49x8x128xf32, #tpu.memory_space<vmem>>
    %dma_wait3A_305 = tpu.memref_squeeze %dma_wait3A_304 : memref<1x49x8x128xf32, #tpu.memory_space<vmem>> -> memref<49x8x128xf32, #tpu.memory_space<vmem>>
    %dma_wait3A_306 = arith.constant 0 : i32
    %dma_wait3A_307 = arith.constant 128 : i32
    %dma_wait3A_308 = tpu.memref_slice %arg3[%dma_wait3A_306, %add3A_299, %dma_wait3A_307] : memref<49x4096x256xf32, #tpu.memory_space<hbm>> -> memref<49x8x128xf32, #tpu.memory_space<hbm>>
    %dma_wait3A_309 = arith.constant 0 : i32
    %dma_wait3A_310 = arith.constant 128 : i32
    %dma_wait3A_311 = tpu.memref_slice %arg3[%dma_wait3A_309, %add3A_299, %dma_wait3A_310] : memref<49x4096x256xf32, #tpu.memory_space<hbm>> -> memref<49x8x128xf32, #tpu.memory_space<hbm>>
    %dma_wait3A_312 = arith.constant 0 : i32
    %dma_wait3A_313 = arith.constant 0 : i32
    %dma_wait3A_314 = arith.constant 0 : i32
    %dma_wait3A_315 = tpu.memref_slice %arg5[%dma_wait3A_300, %dma_wait3A_312, %dma_wait3A_313, %dma_wait3A_314] : memref<2x49x8x128xf32, #tpu.memory_space<vmem>> -> memref<1x49x8x128xf32, #tpu.memory_space<vmem>>
    %dma_wait3A_316 = tpu.memref_squeeze %dma_wait3A_315 : memref<1x49x8x128xf32, #tpu.memory_space<vmem>> -> memref<49x8x128xf32, #tpu.memory_space<vmem>>
    tpu.wait_dma2 semaphore(%arg10 : memref<!tpu.dma_semaphore, #tpu.memory_space<semaphore_mem>>) src(%dma_wait3A_316 : memref<49x8x128xf32, #tpu.memory_space<vmem>>) dst(%dma_wait3A_311 : memref<49x8x128xf32, #tpu.memory_space<hbm>>)
    return
  }
}

</mosaic_0001>

<sc_bundles>
// kernel: kernel.3.cloned.1.call-start
scs
__scs_entry_jumppad:
0x0: {  	(pc) =	sbr.rel $0x88, $3  }
0x1: {  	(tag) =	ssettag $0x0;
	lr =	simm.s32 $0x1  }
0x2: {  	[smem:$0x3FA0] =	sst lr;
	_ =	strace $0xD0000000  }
0x3: {  	_ = 	snop  }
0x4: {  	_ = 	snop  }
0x5: {  	_ = 	snop  }
0x6: {  	_ = 	snop  }
0x7: {  	_ = 	snop  }
__scs_overlays_trampoline_lowered:
0x8: {  	[smem:$0x3FAF] =	sst s0  }
0x9: {  	[smem:$0x3FB0] =	sst s1  }
0xa: {  	[smem:$0x3FB1] =	sst s2  }
0xb: {  	[smem:$0x3FB2] =	sst s3  }
0xc: {  	[smem:$0x3FB3] =	sst s4  }
0xd: {  	[smem:$0x3FB4] =	sst s5  }
0xe: {  	[smem:$0x3FB5] =	sst s6  }
0xf: {  	[smem:$0x3FB6] =	sst s7  }
0x10: {  	[smem:$0x3FB7] =	sst s8  }
0x11: {  	[smem:$0x3FB8] =	sst s9;
	s0 =	simm.s32 @!p0 $0x0  }
0x12: {  	s1 =	sld [smem:$0x3F9E];
	s0 =	simm.s32 @p0 $0x1  }
0x13: {  	[smem:$0x3FB9] =	sst s0;
	s0 =	simm.s32 @!p1 $0x0  }
0x14: {  	s2 =	sld [smem:$0x3F9D];
	s0 =	simm.s32 @p1 $0x1  }
0x15: {  	[smem:$0x3FBA] =	sst s0;
	s0 =	simm.s32 @!p2 $0x0  }
0x16: {  	s3 =	sld [smem:$0x3FDB];
	s0 =	simm.s32 @p2 $0x1  }
0x17: {  	s4 =	simm.s32 $0x1BF5;
	[smem:$0x3FBC] =	sst s0  }
0x18: {  	s0 =	sld [smem:$0x3F9F];
	_ =	swait.ge [sflag:s4], $0x0  }
0x19: {  	s7 =	sld [smem:$0x3FA0]  }
0x1a: {  	s8 =	sadd.s32 $0xFFFFE003, lr  }
0x1b: {  	s9 =	sadd.s32 $0xFFFFFEF7, lr;
	s5 =	simm.s32 $0xFFFFFFFF;
	p2 =	slt.u32 s8, $0xFFFFF086  }
0x1c: {  	p1 =	slt.u32 s9, $0xF7A;
	s5 =	simm.s32 @!p2 $0x0  }
0x1d: {  	s5 =	simm.s32 @p1 $0x1;
	p0 =	seq.s32 s7, s2  }
0x1e: {  	s7 =	smul.u32 @!p0 $0xF7A, s2;
	p2 =	seq.s32 @!p0 s5, $0x0  }
0x1f: {  	s9 =	smul.u32 $0xF7A, s1;
	s8 =	simm.s32 @!p0 $0x1BF5;
	p2 =	por !p2, p0  }
0x20: {  	[sflag:s8] =	ssyncset.s32 @!p0 $0xFFFFF086;
	s6 =	sadd.s32 @!p0 s3, s7;
	s7 =	simm.s32 @!p0 $0x108  }
0x21: {  	s3 =	sadd.s32 s3, s9;
	s6 =	sadd.s32 @!p0 $0x88, s6;
	s7 =	simm.s32 @p2 $0x1082  }
0x22: {  	[simem:s7], [sflag:s8] =	dma.local @!p0 [hbm:s6], $0xF7A  }
0x23: {  	s9 =	sor.u32 $0xD0000000, s2;
	s6 =	simm.s32 $0x108;
	_ =	swait.ge @!p0 [sflag:s8], $0x0  }
0x24: {  	s3 =	sadd.s32 $0x88, s3;
	s6 =	simm.s32 @!p1 $0x1082;
	[sflag:s4] =	ssyncset.s32 $0xFFFFF086  }
0x25: {  	[simem:s6], [sflag:s4] =	dma.local [hbm:s3], $0xF7A  }
0x26: {  	[smem:$0x3FA0] =	sst s1;
	(tag) =	ssettag s2;
	_ =	strace s9  }
0x27: {  	s1 =	sld [smem:$0x3FB0]  }
0x28: {  	s2 =	sld [smem:$0x3FB1]  }
0x29: {  	s4 =	sld [smem:$0x3FB3]  }
0x2a: {  	p0 =	seq.s32 s5, $0x0;
	s5 =	sld [smem:$0x3FB4]  }
0x2b: {  	s6 =	sld [smem:$0x3FB5]  }
0x2c: {  	s7 =	sld [smem:$0x3FB6]  }
0x2d: {  	s3 =	simm.s32 $0x108;
	s8 =	sld [smem:$0x3FB7]  }
0x2e: {  	s3 =	simm.s32 @!p0 $0x1082;
	s9 =	sld [smem:$0x3FB8]  }
0x2f: {  	lr =	sadd.s32 s0, s3;
	s0 =	sld [smem:$0x3FAF]  }
0x30: {  	s3 =	sld [smem:$0x3FB2]  }
0x31: {  	[smem:$0x3FBB] =	sst s10  }
0x32: {  	s10 =	sld [smem:$0x3FB9];
	_ =	sdelay $0x3  }
0x33: {  	p0 =	seq.s32 s10, $0x1;
	s10 =	sld [smem:$0x3FBB];
	_ =	sdelay $0x3  }
0x34: {  	[smem:$0x3FBB] =	sst s10  }
0x35: {  	s10 =	sld [smem:$0x3FBA];
	_ =	sdelay $0x3  }
0x36: {  	p1 =	seq.s32 s10, $0x1;
	s10 =	sld [smem:$0x3FBB];
	_ =	sdelay $0x3  }
0x37: {  	[smem:$0x3FBB] =	sst s10  }
0x38: {  	s10 =	sld [smem:$0x3FBC]  }
0x39: {  	_ = 	snop;
	(pc) =	sbr.ind lr, $3  }
0x3a: {  	_ = 	snop  }
0x3b: {  	_ = 	snop  }
0x3c: {  	p2 =	seq.s32 s10, $0x1;
	s10 =	sld [smem:$0x3FBB]  }
0x3d: {  	_ =	shalt  }
0x3e: {  	_ =	shalt  }
0x3f: {  	_ =	shalt  }
0x40: {  	_ =	shalt  }
0x41: {  	_ =	shalt  }
0x42: {  	_ =	shalt  }
0x43: {  	_ =	shalt  }
0x44: {  	_ =	shalt  }
0x45: {  	_ =	shalt  }
0x46: {  	_ =	shalt  }
0x47: {  	_ =	shalt  }
0x48: {  	_ =	shalt  }
0x49: {  	_ =	shalt  }
0x4a: {  	_ =	shalt  }
0x4b: {  	_ =	shalt  }
0x4c: {  	_ =	shalt  }
0x4d: {  	_ =	shalt  }
0x4e: {  	_ =	shalt  }
0x4f: {  	_ =	shalt  }
0x50: {  	_ =	shalt  }
0x51: {  	_ =	shalt  }
0x52: {  	_ =	shalt  }
0x53: {  	_ =	shalt  }
0x54: {  	_ =	shalt  }
0x55: {  	_ =	shalt  }
0x56: {  	_ =	shalt  }
0x57: {  	_ =	shalt  }
0x58: {  	_ =	shalt  }
0x59: {  	_ =	shalt  }
0x5a: {  	_ =	shalt  }
0x5b: {  	_ =	shalt  }
0x5c: {  	_ =	shalt  }
0x5d: {  	_ =	shalt  }
0x5e: {  	_ =	shalt  }
0x5f: {  	_ =	shalt  }
0x60: {  	_ =	shalt  }
0x61: {  	_ =	shalt  }
0x62: {  	_ =	shalt  }
0x63: {  	_ =	shalt  }
0x64: {  	_ =	shalt  }
0x65: {  	_ =	shalt  }
0x66: {  	_ =	shalt  }
0x67: {  	_ =	shalt  }
0x68: {  	_ =	shalt  }
0x69: {  	_ =	shalt  }
0x6a: {  	_ =	shalt  }
0x6b: {  	_ =	shalt  }
0x6c: {  	_ =	shalt  }
0x6d: {  	_ =	shalt  }
0x6e: {  	_ =	shalt  }
0x6f: {  	_ =	shalt  }
0x70: {  	_ =	shalt  }
0x71: {  	_ =	shalt  }
0x72: {  	_ =	shalt  }
0x73: {  	_ =	shalt  }
0x74: {  	_ =	shalt  }
0x75: {  	_ =	shalt  }
0x76: {  	_ =	shalt  }
0x77: {  	_ =	shalt  }
0x78: {  	_ =	shalt  }
0x79: {  	_ =	shalt  }
0x7a: {  	_ =	shalt  }
0x7b: {  	_ =	shalt  }
0x7c: {  	_ =	shalt  }
0x7d: {  	_ =	shalt  }
0x7e: {  	_ =	shalt  }
0x7f: {  	_ =	shalt  }
0x80: {  	_ =	shalt  }
0x81: {  	_ =	shalt  }
0x82: {  	_ =	shalt  }
0x83: {  	_ =	shalt  }
0x84: {  	_ =	shalt  }
0x85: {  	_ =	shalt  }
0x86: {  	_ =	shalt  }
0x87: {  	_ =	shalt  }
.Lfunc_end0:
.L_simem_size_0:
called_computation_lowered:
.L_overlay_start_0:
0x88: {  	s2 =	sld [smem:$0x3FD9]  }
0x89: {  	s3 =	sld [smem:$0x3FFE];
	_ =	sdelay $0x1  }
0x8a: {  	s1 =	srdreg.scid  }
0x8b: {  	s0 =	sand.u32 $0x1, s1  }
0x8c: {  	s18 =	sshll.u32 s0, $0xA;
	s2 =	sadd.s32 s3, s2  }
0x8d: {  	s2 =	sadd.s32 s2, s18  }
0x8e: {  	[smem:$0x3FC7] =	sst s2  }
0x8f: {  	_ = 	snop  }
0x90: {  	s2 =	sld [smem:$0x3FC9]  }
0x91: {  	s19 =	sld [smem:$0x3FD0];
	(tm) =	ssettm $0x1  }
0x92: {  	s4 =	sld [smem:$0x3FFB];
	_ =	sdelay $0x3  }
0x93: {  	_ =	strace s4  }
0x94: {  	s4 =	sld [smem:$0x3FFC];
	_ =	sdelay $0x3  }
0x95: {  	_ =	strace s4  }
0x96: {  	s4 =	sld [smem:$0x3FFD];
	_ =	sdelay $0x3  }
0x97: {  	_ =	strace s4  }
0x98: {  	_ =	strace $0x8FFFFFFF  }
0x99: {  	s20 =	sld [smem:$0x3FDB];
	_ =	sdelay $0x1  }
0x9a: {  	s5 =	simm.s32 $_scs_section_size  }
0x9b: {  	s6 =	simm.s32 $_size__tile_overlayer_lowered;
	s7 =	simm.s32 $_tile_overlayer_lowered  }
0x9c: {  	s23 =	simm.s32 $0x1BFF;
	s22 =	sshll.u32 s7, $0x1;
	s4 =	sadd.s32 s5, s20  }
0x9d: {  	s8 =	simm.s32 $0x0;
	s21 =	sshll.u32 s6, $0x1;
	s6 =	sadd.s32 s22, s4  }
0x9e: {  	[timem:s8], [sflag:s23] =	dma.local [hbm:s6], s21  }
0x9f: {  	_ =	swait.ge [sflag:s23], s21  }
0xa0: {  	s5 =	ssub.s32 $0x0, s21;
	[sflag:s23] =	ssyncset.done $0x0  }
0xa1: {  	[sflag:s23] =	ssyncadd.s32 s5;
	_ =	sdelay $0x1  }
0xa2: {  	s24 =	simm.s32 $0x1B8B  }
0xa3: {  	_ =	swait.ge [sflag:s24], $0x1  }
0xa4: {  	[sflag:s24] =	ssyncset.done $0x0  }
0xa5: {  	s25 =	simm.s32 $0x1B8E;
	[sflag:s24] =	ssyncadd.s32 $0xFFFFFFFF  }
0xa6: {  	s26 =	simm.s32 $execute0_lowered;
	[smem:$0x3FD2] =	sst s25  }
0xa7: {  	s5 =	sshll.u32 s26, $0x1;
	_ =	strace $0x80000046;
	[dreg:$0x1] =	wrdreg $0xFFFFFFFF  }
0xa8: {  	s28 =	simm.s32 $_size_execute0_lowered;
	s4 =	sadd.s32 s4, s5;
	[dreg:$0x0] =	wrdreg $0x0  }
0xa9: {  	s5 =	sshll.u32 s28, $0x1;
	[dreg:$0x2] =	wrdreg s4  }
0xaa: {  	[dreg:$0x3] =	wrdreg s5  }
0xab: {  	[dreg:$0x4] =	wrdreg $0xC0  }
0xac: {  	_ =	task [dreg:s8], $0x5FFFF  }
0xad: {  	[dreg:$0x1] =	wrdreg $0xFFFFFFFF  }
0xae: {  	[dreg:$0x0] =	wrdreg $0x60  }
0xaf: {  	[dreg:$0x2] =	wrdreg s2  }
0xb0: {  	[dreg:$0x3] =	wrdreg s19  }
0xb1: {  	[dreg:$0x4] =	wrdreg $0x9  }
0xb2: {  	_ =	task.clear_ibuf [dreg:s8], $0x5FFFF;
	_ =	strace $0x90000046  }
0xb3: {  	s29 =	simm.s32 $0x9;
	_ =	strace $0x80000048  }
0xb4: {  	_ =	swait.ge [sflag:s29], $0x1  }
0xb5: {  	[sflag:s29] =	ssyncadd.s32 $0xFFFFFFFF  }
0xb6: {  	_ =	strace $0x90000048  }
0xb7: {  	_ =	sfence  }
0xb8: {  	s30 =	sld [smem:$0x0];
	_ =	sdelay $0x2  }
0xb9: {  	s31 =	sshll.u32 s1, $0xD;
	s1 =	sshrl.u32 s1, $0x2  }
0xba: {  	s3 =	sand.u32 $0x4000, s31;
	s1 =	sadd.s32 s1, s30  }
0xbb: {  	s0 =	sor.u32 s3, s0;
	s1 =	sshll.u32 s1, $0x11  }
0xbc: {  	s0 =	sor.u32 s1, s0  }
0xbd: {  	s0 =	sadd.s32 $0x8F2B, s0  }
0xbe: {  	[sflag:s0] =	ssyncadd.remote.s32 $0x1  }
0xbf: {  	_ =	sfence.sel $0xFFFF  }
0xc0: {  	[dreg:$0x0] =	wrdreg $0xFFFFFFFF;
	(pc) =	sbr.abs _section_cstart, $3  }
0xc1: {  	[dreg:$0x1] =	wrdreg $0xFFFFFFFF  }
0xc2: {  	_ =	task.clear_ibuf [dreg:s8], $0x2FFFF;
	_ =	strace $0x9FFFFFFF  }
0xc3: {  	(tm) =	ssettm $0x7FFFFFFF  }
tec
execute0_lowered:
.L_overlay_start_1:
0x0: {  	(tag) =	ssettag $0x1  }
0x1: {  	s2 =	rddreg [dreg:$0x0]  }
0x2: {  	s3 =	rddreg [dreg:$0x1]  }
0x3: {  	s0 =	srdreg.scid;
	s1 =	stileid.u32;
	s4 =	simm.s32 $0x0  }
0x4: {  	s13 =	simm.s32 $0x400;
	s14 =	simm.s32 $0x100000;
	s15 =	simm.s32 $0x1D000  }
0x5: {  	s16 =	simm.s32 $0x2400;
	s17 =	simm.s32 $0x5;
	s18 =	simm.s32 $0x1  }
0x6: {  	s19 =	simm.s32 $0x4800;
	s20 =	simm.s32 $0x2;
	s21 =	simm.s32 $0x10C00  }
0x7: {  	s22 =	simm.s32 $0x3;
	s23 =	simm.s32 $0x4;
	s24 =	simm.s32 $0x0  }
0x8: {  	s0 =	sand.u32 $0x1, s0;
	s5 =	sshll.u32 s1, $0x8;
	[smem:$0x7FF] =	sst s4  }
0x9: {  	s11 =	sadd.s32 $0x80, s3;
	s6 =	sshll.u32 s0, $0x7;
	s0 =	ssub.s32 $0x2, s0  }
0xa: {  	v0 =	vimm.f32 $0.0e+00;
	_ =	strace $0x80000047;
	s9 =	sor.u32 s6, s5;
	s31 =	sshrl.u32 s0, $0x1  }
0xb: {  	v1 =	vimm.s32 $0x400;
	v2 =	vimm.s32 $0x800;
	v3 =	vimm.s32 $0xC00;
	s6 =	sadd.s32 $0x80, s2;
	s7 =	sshll.u32 s9, $0x5;
	s0 =	ssub.s32 s0, s31  }
0xc: {  	v4 =	vimm.s32 $0x1000;
	v5 =	vimm.s32 $0x1400;
	v6 =	vimm.s32 $0x1800;
	s9 =	sshrl.u32 s9, $0x3;
	s5 =	sadd.s32 s2, s7;
	s7 =	sadd.s32 s7, s6  }
0xd: {  	v7 =	vimm.s32 $0x1C00;
	v8 =	vimm.s32 $0x2000;
	v9 =	vimm.f32 $1.000000000e+00;
	s10 =	sor.u32 $0x1, s9;
	s12 =	smax.u32 s0, $0x1;
	s8 =	sadd.s32 $0x100, s5  }
.LBB2_1:
0xe: {  	[tilespmem:s15], [sflag:$0x5] =	stream.strided.gather [hbm4b:s2+s13], $0x2400, s14, s13, $0x38;
	[tilespmem:$0x1F400] =	vst v63  }
0xf: {  	_ = 	snop  }
0x10: {  	[tilespmem:s4], [sflag:$0x1] =	stream.strided.gather [hbm4b:s5+s13], $0x2400, s14, s13, $0x38;
	[tilespmem:$0x1F400] =	vst v63  }
0x11: {  	s25 =	simm.s32 $0x0;
	s26 =	simm.s32 $0x1000  }
0x12: {  	[tilespmem:s16], [sflag:$0x2] =	stream.strided.gather [hbm4b:s7+s13], $0x2400, s14, s13, $0x38;
	[tilespmem:$0x1F400] =	vst v63  }
.LBB2_2:
0x13: {  	p0 =	sne.s32 s26, $0x30000;
	[tilespmem:s25+$0x4BF0] =	vst v0  }
0x14: {  	[tilespmem:s25+$0x4800] =	vst v0  }
0x15: {  	[tilespmem:s25+$0x4810] =	vst v0  }
0x16: {  	[tilespmem:s25+$0x4820] =	vst v0  }
0x17: {  	[tilespmem:s25+$0x4830] =	vst v0  }
0x18: {  	[tilespmem:s25+$0x4840] =	vst v0  }
0x19: {  	[tilespmem:s25+$0x4850] =	vst v0  }
0x1a: {  	[tilespmem:s25+$0x4860] =	vst v0  }
0x1b: {  	[tilespmem:s25+$0x4870] =	vst v0  }
0x1c: {  	[tilespmem:s25+$0x4880] =	vst v0  }
0x1d: {  	[tilespmem:s25+$0x4890] =	vst v0  }
0x1e: {  	[tilespmem:s25+$0x48A0] =	vst v0  }
0x1f: {  	[tilespmem:s25+$0x48B0] =	vst v0  }
0x20: {  	[tilespmem:s25+$0x48C0] =	vst v0  }
0x21: {  	[tilespmem:s25+$0x48D0] =	vst v0  }
0x22: {  	[tilespmem:s25+$0x48E0] =	vst v0  }
0x23: {  	[tilespmem:s25+$0x48F0] =	vst v0  }
0x24: {  	[tilespmem:s25+$0x4900] =	vst v0  }
0x25: {  	[tilespmem:s25+$0x4910] =	vst v0  }
0x26: {  	[tilespmem:s25+$0x4920] =	vst v0  }
0x27: {  	[tilespmem:s25+$0x4930] =	vst v0  }
0x28: {  	[tilespmem:s25+$0x4940] =	vst v0  }
0x29: {  	[tilespmem:s25+$0x4950] =	vst v0  }
0x2a: {  	[tilespmem:s25+$0x4960] =	vst v0  }
0x2b: {  	[tilespmem:s25+$0x4970] =	vst v0  }
0x2c: {  	[tilespmem:s25+$0x4980] =	vst v0  }
0x2d: {  	[tilespmem:s25+$0x4990] =	vst v0  }
0x2e: {  	[tilespmem:s25+$0x49A0] =	vst v0  }
0x2f: {  	[tilespmem:s25+$0x49B0] =	vst v0  }
0x30: {  	[tilespmem:s25+$0x49C0] =	vst v0  }
0x31: {  	[tilespmem:s25+$0x49D0] =	vst v0  }
0x32: {  	[tilespmem:s25+$0x49E0] =	vst v0  }
0x33: {  	[tilespmem:s25+$0x49F0] =	vst v0  }
0x34: {  	[tilespmem:s25+$0x4A00] =	vst v0  }
0x35: {  	[tilespmem:s25+$0x4A10] =	vst v0  }
0x36: {  	[tilespmem:s25+$0x4A20] =	vst v0  }
0x37: {  	[tilespmem:s25+$0x4A30] =	vst v0  }
0x38: {  	[tilespmem:s25+$0x4A40] =	vst v0  }
0x39: {  	[tilespmem:s25+$0x4A50] =	vst v0  }
0x3a: {  	[tilespmem:s25+$0x4A60] =	vst v0  }
0x3b: {  	[tilespmem:s25+$0x4A70] =	vst v0  }
0x3c: {  	[tilespmem:s25+$0x4A80] =	vst v0  }
0x3d: {  	[tilespmem:s25+$0x4A90] =	vst v0  }
0x3e: {  	[tilespmem:s25+$0x4AA0] =	vst v0  }
0x3f: {  	[tilespmem:s25+$0x4AB0] =	vst v0  }
0x40: {  	[tilespmem:s25+$0x4AC0] =	vst v0  }
0x41: {  	[tilespmem:s25+$0x4AD0] =	vst v0  }
0x42: {  	[tilespmem:s25+$0x4AE0] =	vst v0  }
0x43: {  	[tilespmem:s25+$0x4AF0] =	vst v0  }
0x44: {  	[tilespmem:s25+$0x4B00] =	vst v0  }
0x45: {  	[tilespmem:s25+$0x4B10] =	vst v0  }
0x46: {  	[tilespmem:s25+$0x4B20] =	vst v0  }
0x47: {  	[tilespmem:s25+$0x4B30] =	vst v0  }
0x48: {  	[tilespmem:s25+$0x4B40] =	vst v0  }
0x49: {  	[tilespmem:s25+$0x4B50] =	vst v0  }
0x4a: {  	[tilespmem:s25+$0x4B60] =	vst v0  }
0x4b: {  	[tilespmem:s25+$0x4B70] =	vst v0  }
0x4c: {  	[tilespmem:s25+$0x4B80] =	vst v0  }
0x4d: {  	[tilespmem:s25+$0x4B90] =	vst v0  }
.Ltmp0:
0x4e: {  	[tilespmem:s25+$0x4BA0] =	vst v0;
	(pc) =	sbr.rel @p0 .LBB2_2-.Ltmp0, $4  }
0x4f: {  	[tilespmem:s25+$0x4BB0] =	vst v0  }
0x50: {  	[tilespmem:s25+$0x4BC0] =	vst v0  }
0x51: {  	[tilespmem:s25+$0x4BD0] =	vst v0  }
0x52: {  	[tilespmem:s25+$0x4BE0] =	vst v0;
	s25 =	sshra.s32 s26, $0x2;
	s26 =	sadd.s32 $0x1000, s26  }
0x53: {  	[tilespmem:s25+$0x4BF0] =	vst v0  }
0x54: {  	[tilespmem:s25+$0x4800] =	vst v0  }
0x55: {  	[tilespmem:s25+$0x4810] =	vst v0  }
0x56: {  	[tilespmem:s25+$0x4820] =	vst v0  }
0x57: {  	[tilespmem:s25+$0x4830] =	vst v0  }
0x58: {  	[tilespmem:s25+$0x4840] =	vst v0  }
0x59: {  	[tilespmem:s25+$0x4850] =	vst v0  }
0x5a: {  	[tilespmem:s25+$0x4860] =	vst v0  }
0x5b: {  	[tilespmem:s25+$0x4870] =	vst v0  }
0x5c: {  	[tilespmem:s25+$0x4880] =	vst v0  }
0x5d: {  	[tilespmem:s25+$0x4890] =	vst v0  }
0x5e: {  	[tilespmem:s25+$0x48A0] =	vst v0  }
0x5f: {  	[tilespmem:s25+$0x48B0] =	vst v0  }
0x60: {  	[tilespmem:s25+$0x48C0] =	vst v0  }
0x61: {  	[tilespmem:s25+$0x48D0] =	vst v0  }
0x62: {  	[tilespmem:s25+$0x48E0] =	vst v0  }
0x63: {  	[tilespmem:s25+$0x48F0] =	vst v0  }
0x64: {  	[tilespmem:s25+$0x4900] =	vst v0  }
0x65: {  	[tilespmem:s25+$0x4910] =	vst v0  }
0x66: {  	[tilespmem:s25+$0x4920] =	vst v0  }
0x67: {  	[tilespmem:s25+$0x4930] =	vst v0  }
0x68: {  	[tilespmem:s25+$0x4940] =	vst v0  }
0x69: {  	[tilespmem:s25+$0x4950] =	vst v0  }
0x6a: {  	[tilespmem:s25+$0x4960] =	vst v0  }
0x6b: {  	[tilespmem:s25+$0x4970] =	vst v0  }
0x6c: {  	[tilespmem:s25+$0x4980] =	vst v0  }
0x6d: {  	[tilespmem:s25+$0x4990] =	vst v0  }
0x6e: {  	[tilespmem:s25+$0x49A0] =	vst v0  }
0x6f: {  	[tilespmem:s25+$0x49B0] =	vst v0  }
0x70: {  	[tilespmem:s25+$0x49C0] =	vst v0  }
0x71: {  	[tilespmem:s25+$0x49D0] =	vst v0  }
0x72: {  	[tilespmem:s25+$0x49E0] =	vst v0  }
0x73: {  	[tilespmem:s25+$0x49F0] =	vst v0  }
0x74: {  	[tilespmem:s25+$0x4A00] =	vst v0  }
0x75: {  	[tilespmem:s25+$0x4A10] =	vst v0  }
0x76: {  	[tilespmem:s25+$0x4A20] =	vst v0  }
0x77: {  	[tilespmem:s25+$0x4A30] =	vst v0  }
0x78: {  	[tilespmem:s25+$0x4A40] =	vst v0  }
0x79: {  	[tilespmem:s25+$0x4A50] =	vst v0  }
0x7a: {  	[tilespmem:s25+$0x4A60] =	vst v0  }
0x7b: {  	[tilespmem:s25+$0x4A70] =	vst v0  }
0x7c: {  	[tilespmem:s25+$0x4A80] =	vst v0  }
0x7d: {  	[tilespmem:s25+$0x4A90] =	vst v0  }
0x7e: {  	[tilespmem:s25+$0x4AA0] =	vst v0  }
0x7f: {  	[tilespmem:s25+$0x4AB0] =	vst v0  }
0x80: {  	[tilespmem:s25+$0x4AC0] =	vst v0  }
0x81: {  	[tilespmem:s25+$0x4AD0] =	vst v0  }
0x82: {  	[tilespmem:s25+$0x4AE0] =	vst v0  }
0x83: {  	[tilespmem:s25+$0x4AF0] =	vst v0  }
0x84: {  	[tilespmem:s25+$0x4B00] =	vst v0  }
0x85: {  	[tilespmem:s25+$0x4B10] =	vst v0  }
0x86: {  	[tilespmem:s25+$0x4B20] =	vst v0  }
0x87: {  	[tilespmem:s25+$0x4B30] =	vst v0  }
0x88: {  	[tilespmem:s25+$0x4B40] =	vst v0  }
0x89: {  	[tilespmem:s25+$0x4B50] =	vst v0  }
0x8a: {  	[tilespmem:s25+$0x4B60] =	vst v0  }
0x8b: {  	[tilespmem:s25+$0x4B70] =	vst v0  }
0x8c: {  	[tilespmem:s25+$0x4B80] =	vst v0  }
0x8d: {  	[tilespmem:s25+$0x4B90] =	vst v0  }
0x8e: {  	[tilespmem:s25+$0x4BA0] =	vst v0  }
0x8f: {  	[tilespmem:s25+$0x4BB0] =	vst v0  }
0x90: {  	[tilespmem:s25+$0x4BC0] =	vst v0  }
0x91: {  	[tilespmem:s25+$0x4BD0] =	vst v0  }
0x92: {  	[tilespmem:s25+$0x4BE0] =	vst v0;
	s25 =	simm.s32 $0x0;
	s26 =	simm.s32 $0x1000  }
.LBB2_4:
0x93: {  	p0 =	sne.s32 s26, $0x30000;
	[tilespmem:s25+$0x10FF0] =	vst v0  }
0x94: {  	[tilespmem:s25+$0x10C00] =	vst v0  }
0x95: {  	[tilespmem:s25+$0x10C10] =	vst v0  }
0x96: {  	[tilespmem:s25+$0x10C20] =	vst v0  }
0x97: {  	[tilespmem:s25+$0x10C30] =	vst v0  }
0x98: {  	[tilespmem:s25+$0x10C40] =	vst v0  }
0x99: {  	[tilespmem:s25+$0x10C50] =	vst v0  }
0x9a: {  	[tilespmem:s25+$0x10C60] =	vst v0  }
0x9b: {  	[tilespmem:s25+$0x10C70] =	vst v0  }
0x9c: {  	[tilespmem:s25+$0x10C80] =	vst v0  }
0x9d: {  	[tilespmem:s25+$0x10C90] =	vst v0  }
0x9e: {  	[tilespmem:s25+$0x10CA0] =	vst v0  }
0x9f: {  	[tilespmem:s25+$0x10CB0] =	vst v0  }
0xa0: {  	[tilespmem:s25+$0x10CC0] =	vst v0  }
0xa1: {  	[tilespmem:s25+$0x10CD0] =	vst v0  }
0xa2: {  	[tilespmem:s25+$0x10CE0] =	vst v0  }
0xa3: {  	[tilespmem:s25+$0x10CF0] =	vst v0  }
0xa4: {  	[tilespmem:s25+$0x10D00] =	vst v0  }
0xa5: {  	[tilespmem:s25+$0x10D10] =	vst v0  }
0xa6: {  	[tilespmem:s25+$0x10D20] =	vst v0  }
0xa7: {  	[tilespmem:s25+$0x10D30] =	vst v0  }
0xa8: {  	[tilespmem:s25+$0x10D40] =	vst v0  }
0xa9: {  	[tilespmem:s25+$0x10D50] =	vst v0  }
0xaa: {  	[tilespmem:s25+$0x10D60] =	vst v0  }
0xab: {  	[tilespmem:s25+$0x10D70] =	vst v0  }
0xac: {  	[tilespmem:s25+$0x10D80] =	vst v0  }
0xad: {  	[tilespmem:s25+$0x10D90] =	vst v0  }
0xae: {  	[tilespmem:s25+$0x10DA0] =	vst v0  }
0xaf: {  	[tilespmem:s25+$0x10DB0] =	vst v0  }
0xb0: {  	[tilespmem:s25+$0x10DC0] =	vst v0  }
0xb1: {  	[tilespmem:s25+$0x10DD0] =	vst v0  }
0xb2: {  	[tilespmem:s25+$0x10DE0] =	vst v0  }
0xb3: {  	[tilespmem:s25+$0x10DF0] =	vst v0  }
0xb4: {  	[tilespmem:s25+$0x10E00] =	vst v0  }
0xb5: {  	[tilespmem:s25+$0x10E10] =	vst v0  }
0xb6: {  	[tilespmem:s25+$0x10E20] =	vst v0  }
0xb7: {  	[tilespmem:s25+$0x10E30] =	vst v0  }
0xb8: {  	[tilespmem:s25+$0x10E40] =	vst v0  }
0xb9: {  	[tilespmem:s25+$0x10E50] =	vst v0  }
0xba: {  	[tilespmem:s25+$0x10E60] =	vst v0  }
0xbb: {  	[tilespmem:s25+$0x10E70] =	vst v0  }
0xbc: {  	[tilespmem:s25+$0x10E80] =	vst v0  }
0xbd: {  	[tilespmem:s25+$0x10E90] =	vst v0  }
0xbe: {  	[tilespmem:s25+$0x10EA0] =	vst v0  }
0xbf: {  	[tilespmem:s25+$0x10EB0] =	vst v0  }
0xc0: {  	[tilespmem:s25+$0x10EC0] =	vst v0  }
0xc1: {  	[tilespmem:s25+$0x10ED0] =	vst v0  }
0xc2: {  	[tilespmem:s25+$0x10EE0] =	vst v0  }
0xc3: {  	[tilespmem:s25+$0x10EF0] =	vst v0  }
0xc4: {  	[tilespmem:s25+$0x10F00] =	vst v0  }
0xc5: {  	[tilespmem:s25+$0x10F10] =	vst v0  }
0xc6: {  	[tilespmem:s25+$0x10F20] =	vst v0  }
0xc7: {  	[tilespmem:s25+$0x10F30] =	vst v0  }
0xc8: {  	[tilespmem:s25+$0x10F40] =	vst v0  }
0xc9: {  	[tilespmem:s25+$0x10F50] =	vst v0  }
0xca: {  	[tilespmem:s25+$0x10F60] =	vst v0  }
0xcb: {  	[tilespmem:s25+$0x10F70] =	vst v0  }
0xcc: {  	[tilespmem:s25+$0x10F80] =	vst v0  }
0xcd: {  	[tilespmem:s25+$0x10F90] =	vst v0  }
.Ltmp1:
0xce: {  	[tilespmem:s25+$0x10FA0] =	vst v0;
	(pc) =	sbr.rel @p0 .LBB2_4-.Ltmp1, $4  }
0xcf: {  	[tilespmem:s25+$0x10FB0] =	vst v0  }
0xd0: {  	[tilespmem:s25+$0x10FC0] =	vst v0  }
0xd1: {  	[tilespmem:s25+$0x10FD0] =	vst v0  }
0xd2: {  	[tilespmem:s25+$0x10FE0] =	vst v0;
	s25 =	sshra.s32 s26, $0x2;
	s26 =	sadd.s32 $0x1000, s26  }
0xd3: {  	[tilespmem:s25+$0x10FF0] =	vst v0  }
0xd4: {  	[tilespmem:s25+$0x10C00] =	vst v0  }
0xd5: {  	[tilespmem:s25+$0x10C10] =	vst v0  }
0xd6: {  	[tilespmem:s25+$0x10C20] =	vst v0  }
0xd7: {  	[tilespmem:s25+$0x10C30] =	vst v0  }
0xd8: {  	[tilespmem:s25+$0x10C40] =	vst v0  }
0xd9: {  	[tilespmem:s25+$0x10C50] =	vst v0  }
0xda: {  	[tilespmem:s25+$0x10C60] =	vst v0  }
0xdb: {  	[tilespmem:s25+$0x10C70] =	vst v0  }
0xdc: {  	[tilespmem:s25+$0x10C80] =	vst v0  }
0xdd: {  	[tilespmem:s25+$0x10C90] =	vst v0  }
0xde: {  	[tilespmem:s25+$0x10CA0] =	vst v0  }
0xdf: {  	[tilespmem:s25+$0x10CB0] =	vst v0  }
0xe0: {  	[tilespmem:s25+$0x10CC0] =	vst v0  }
0xe1: {  	[tilespmem:s25+$0x10CD0] =	vst v0  }
0xe2: {  	[tilespmem:s25+$0x10CE0] =	vst v0  }
0xe3: {  	[tilespmem:s25+$0x10CF0] =	vst v0  }
0xe4: {  	[tilespmem:s25+$0x10D00] =	vst v0  }
0xe5: {  	[tilespmem:s25+$0x10D10] =	vst v0  }
0xe6: {  	[tilespmem:s25+$0x10D20] =	vst v0  }
0xe7: {  	[tilespmem:s25+$0x10D30] =	vst v0  }
0xe8: {  	[tilespmem:s25+$0x10D40] =	vst v0  }
0xe9: {  	[tilespmem:s25+$0x10D50] =	vst v0  }
0xea: {  	[tilespmem:s25+$0x10D60] =	vst v0  }
0xeb: {  	[tilespmem:s25+$0x10D70] =	vst v0  }
0xec: {  	[tilespmem:s25+$0x10D80] =	vst v0  }
0xed: {  	[tilespmem:s25+$0x10D90] =	vst v0  }
0xee: {  	[tilespmem:s25+$0x10DA0] =	vst v0  }
0xef: {  	[tilespmem:s25+$0x10DB0] =	vst v0  }
0xf0: {  	[tilespmem:s25+$0x10DC0] =	vst v0  }
0xf1: {  	[tilespmem:s25+$0x10DD0] =	vst v0  }
0xf2: {  	[tilespmem:s25+$0x10DE0] =	vst v0  }
0xf3: {  	[tilespmem:s25+$0x10DF0] =	vst v0  }
0xf4: {  	[tilespmem:s25+$0x10E00] =	vst v0  }
0xf5: {  	[tilespmem:s25+$0x10E10] =	vst v0  }
0xf6: {  	[tilespmem:s25+$0x10E20] =	vst v0  }
0xf7: {  	[tilespmem:s25+$0x10E30] =	vst v0  }
0xf8: {  	[tilespmem:s25+$0x10E40] =	vst v0  }
0xf9: {  	[tilespmem:s25+$0x10E50] =	vst v0  }
0xfa: {  	[tilespmem:s25+$0x10E60] =	vst v0  }
0xfb: {  	[tilespmem:s25+$0x10E70] =	vst v0  }
0xfc: {  	[tilespmem:s25+$0x10E80] =	vst v0  }
0xfd: {  	[tilespmem:s25+$0x10E90] =	vst v0  }
0xfe: {  	[tilespmem:s25+$0x10EA0] =	vst v0  }
0xff: {  	[tilespmem:s25+$0x10EB0] =	vst v0  }
0x100: {  	[tilespmem:s25+$0x10EC0] =	vst v0  }
0x101: {  	[tilespmem:s25+$0x10ED0] =	vst v0  }
0x102: {  	[tilespmem:s25+$0x10EE0] =	vst v0  }
0x103: {  	[tilespmem:s25+$0x10EF0] =	vst v0  }
0x104: {  	[tilespmem:s25+$0x10F00] =	vst v0  }
0x105: {  	[tilespmem:s25+$0x10F10] =	vst v0  }
0x106: {  	[tilespmem:s25+$0x10F20] =	vst v0  }
0x107: {  	[tilespmem:s25+$0x10F30] =	vst v0  }
0x108: {  	[tilespmem:s25+$0x10F40] =	vst v0  }
0x109: {  	[tilespmem:s25+$0x10F50] =	vst v0  }
0x10a: {  	[tilespmem:s25+$0x10F60] =	vst v0  }
0x10b: {  	[tilespmem:s25+$0x10F70] =	vst v0  }
0x10c: {  	[tilespmem:s25+$0x10F80] =	vst v0  }
0x10d: {  	[tilespmem:s25+$0x10F90] =	vst v0  }
0x10e: {  	[tilespmem:s25+$0x10FA0] =	vst v0  }
0x10f: {  	[tilespmem:s25+$0x10FB0] =	vst v0  }
0x110: {  	[tilespmem:s25+$0x10FC0] =	vst v0  }
0x111: {  	[tilespmem:s25+$0x10FD0] =	vst v0  }
0x112: {  	[tilespmem:s25+$0x10FE0] =	vst v0  }
0x113: {  	_ =	swait.ge [sflag:s17], $0x2400  }
0x114: {  	[sflag:s17] =	ssyncset.done $0x0  }
0x115: {  	[sflag:s17] =	ssyncadd.s32 $0xFFFFDC00  }
0x116: {  	v10 =	vld.msk [tilespmem:s15+$0x0], $0xffff  }
0x117: {  	v11 =	vld.idx.msk [tilespmem:v1+s15+$0x0], $0xffff  }
0x118: {  	v12 =	vld.idx.msk [tilespmem:v2+s15+$0x0], $0xffff  }
0x119: {  	v13 =	vld.idx.msk [tilespmem:v3+s15+$0x0], $0xffff  }
0x11a: {  	v14 =	vld.idx.msk [tilespmem:v4+s15+$0x0], $0xffff  }
0x11b: {  	v15 =	vld.idx.msk [tilespmem:v5+s15+$0x0], $0xffff  }
0x11c: {  	vm0 =	vlt.f32 v10, $0.0e+00  }
0x11d: {  	vm1 =	vgt.f32 v10, $0.0e+00;
	vm2 =	vlt.f32 v11, $0.0e+00;
	vm3 =	vgt.f32 v11, $0.0e+00  }
0x11e: {  	vm9 =	vlt.f32 v12, $0.0e+00;
	vm10 =	vgt.f32 v12, $0.0e+00;
	vm4 =	vlt.f32 v13, $0.0e+00  }
0x11f: {  	vm5 =	vgt.f32 v13, $0.0e+00;
	vm12 =	vlt.f32 v14, $0.0e+00;
	vm13 =	vgt.f32 v14, $0.0e+00  }
0x120: {  	v10 =	vld.idx.msk [tilespmem:v6+s15+$0x0], $0xffff;
	vm14 =	vlt.f32 v15, $0.0e+00;
	vm15 =	vgt.f32 v15, $0.0e+00;
	vm1 =	vmor vm1, vm0  }
0x121: {  	v11 =	vld.idx.msk [tilespmem:v7+s15+$0x0], $0xffff;
	vm0 =	vmor vm3, vm2;
	vm2 =	vmor vm10, vm9;
	vm11 =	vmor vm5, vm4  }
0x122: {  	vm7 =	vmor vm15, vm14;
	v12 =	vsel vm1, $0x3F800000, v0;
	v13 =	vsel vm2, $0x3F800000, v0  }
0x123: {  	v16 =	vsel vm11, $0x3F800000, v0;
	v15 =	vsel vm0, $0x3F800000, v0;
	vm2 =	vmor vm13, vm12  }
0x124: {  	v18 =	vsel vm7, $0x3F800000, v0;
	v17 =	vsel vm2, $0x3F800000, v0;
	v20 =	vadd.f32 v16, v15  }
0x125: {  	vm8 =	vlt.f32 v10, $0.0e+00;
	vm9 =	vgt.f32 v10, $0.0e+00;
	v10 =	vadd.f32 v15, v12  }
0x126: {  	v14 =	vld.idx.msk [tilespmem:v8+s15+$0x0], $0xffff;
	v21 =	vadd.f32 v17, v16;
	vm10 =	vlt.f32 v11, $0.0e+00;
	vm2 =	vmor vm9, vm8  }
0x127: {  	vm11 =	vgt.f32 v11, $0.0e+00;
	v11 =	vsel vm2, $0x3F800000, v0;
	v10 =	vmax.f32 v10, $1.000000000e+00  }
0x128: {  	(erf) = vrcp.f32 v10;
	v10 =	vmax.f32 v20, $1.000000000e+00;
	v20 =	vadd.f32 v11, v17  }
0x129: {  	(erf) = vrcp.f32 v10;
	v10 =	vmax.f32 v21, $1.000000000e+00;
	v21 =	vadd.f32 v18, v15  }
0x12a: {  	(erf) = vrcp.f32 v10;
	v10 =	vmax.f32 v20, $1.000000000e+00;
	v20 =	vadd.f32 v18, v17  }
0x12b: {  	vm13 =	vlt.f32 v14, $0.0e+00;
	(erf) = vrcp.f32 v10;
	v10 =	vmax.f32 v21, $1.000000000e+00  }
0x12c: {  	v12 =	vadd.f32 v16, v12;
	(erf) = vrcp.f32 v10;
	v10 =	vmax.f32 v20, $1.000000000e+00  }
0x12d: {  	v11 =	vadd.f32 v11, v16;
	(erf) = vrcp.f32 v10;
	v10 =	vsel vm1, $0x40000000, v9  }
0x12e: {  	vm14 =	vgt.f32 v14, $0.0e+00;
	(erf) = vrcp.f32 v10;
	v10 =	vmax.f32 v12, $1.000000000e+00  }
0x12f: {  	vm12 =	vmor vm11, vm10;
	(erf) = vrcp.f32 v10;
	v10 =	vmax.f32 v11, $1.000000000e+00  }
0x130: {  	vm15 =	vmor vm14, vm13;
	v12 =	vadd.f32 v17, v15;
	v11 =	vsel vm2, $0x40000000, v9  }
0x131: {  	v19 =	vsel vm12, $0x3F800000, v0;
	v14 =	vsel vm15, $0x3F800000, v0;
	(erf) = vrcp.f32 v10  }
0x132: {  	v16 =	vadd.f32 v19, v17;
	v15 =	vsel vm0, $0x40000000, v9;
	v10 =	vpop (erf);
	(erf) = vrcp.f32 v11  }
0x133: {  	v17 =	vadd.f32 v18, v13;
	v11 =	vpop (erf);
	(erf) = vrcp.f32 v15;
	v15 =	vmax.f32 v12, $1.000000000e+00  }
0x134: {  	v12 =	vpop (erf);
	(erf) = vrcp.f32 v15;
	v15 =	vmax.f32 v16, $1.000000000e+00;
	v16 =	vadd.f32 v14, v18  }
0x135: {  	v13 =	vpop (erf);
	(erf) = vrcp.f32 v15;
	v15 =	vmax.f32 v17, $1.000000000e+00  }
0x136: {  	v16 =	vmax.f32 v16, $1.000000000e+00  }
0x137: {  	v14 =	vpop (erf);
	(erf) = vrcp.f32 v15  }
0x138: {  	v15 =	vpop (erf);
	(erf) = vrcp.f32 v16  }
0x139: {  	v16 =	vpop (erf)  }
0x13a: {  	v17 =	vpop (erf)  }
0x13b: {  	v18 =	vpop (erf)  }
0x13c: {  	v19 =	vpop (erf)  }
0x13d: {  	v20 =	vpop (erf)  }
0x13e: {  	v21 =	vpop (erf)  }
0x13f: {  	v22 =	vpop (erf)  }
0x140: {  	v23 =	vpop (erf)  }
0x141: {  	s25 =	simm.s32 $0x0;
	v24 =	vpop (erf)  }
.LBB2_6:
0x142: {  	_ =	swait.ge [sflag:s18], $0x2400  }
0x143: {  	p1 =	seq.s32 s25, $0x0;
	[sflag:s18] =	ssyncset.done $0x0  }
0x144: {  	s0 =	simm.s32 @!p1 $0x3;
	[sflag:s18] =	ssyncadd.s32 $0xFFFFDC00  }
0x145: {  	_ =	swait.ge @!p1 [sflag:s0], $0xC400  }
0x146: {  	s26 =	simm.s32 $0x4800;
	[sflag:s0] =	ssyncset.done @!p1 $0x0  }
0x147: {  	s28 =	simm.s32 $0x1000;
	s29 =	simm.s32 $0x0;
	[sflag:s0] =	ssyncadd.s32 @!p1 $0xFFFF3C00  }
.LBB2_7:
0x148: {  	v26 =	vmov s28;
	_ =	sdelay $0x3  }
0x149: {  	s30 =	simm.s32 $0x0  }
0x14a: {  	v32 =	vld.idx.msk [tilespmem:v26+s30+$0x800 ss:$0x1], $0xffff  }
0x14b: {  	v31 =	vld.idx.msk [tilespmem:v26+s30+$0xFFFFFC00 ss:$0x1], $0xffff  }
0x14c: {  	v33 =	vld.idx.msk [tilespmem:v26+s30+$0xFFFFF000 ss:$0x1], $0xffff  }
0x14d: {  	v25 =	vmov s26;
	v34 =	vld.idx.msk [tilespmem:v26+s30+$0xFFFFF400 ss:$0x1], $0xffff  }
0x14e: {  	v35 =	vld.idx.msk [tilespmem:v26+s30+$0x0 ss:$0x1], $0xffff  }
0x14f: {  	v37 =	vld.idx.msk [tilespmem:v26+s30+$0xFFFFF800 ss:$0x1], $0xffff  }
0x150: {  	v39 =	vld.idx.msk [tilespmem:v26+s30+$0x400 ss:$0x1], $0xffff  }
0x151: {  	v38 =	vld.idx.msk [tilespmem:v26+s30+$0x1000 ss:$0x1], $0xffff  }
0x152: {  	v40 =	vld.idx.msk [tilespmem:v26+s30+$0xC00 ss:$0x1], $0xffff;
	[tilespmem:v25+s30+$0x2000 ss:$0x1] =	vst.idx.msk $0xffff, v33  }
0x153: {  	[tilespmem:v25+s30+$0x5800 ss:$0x1] =	vst.idx.msk $0xffff, v31  }
0x154: {  	[tilespmem:v25+s30+$0x9000 ss:$0x1] =	vst.idx.msk $0xffff, v32  }
0x155: {  	[tilespmem:v25+s30+$0x4400 ss:$0x1] =	vst.idx.msk $0xffff, v34  }
0x156: {  	[tilespmem:v25+s30+$0x7C00 ss:$0x1] =	vst.idx.msk $0xffff, v35  }
0x157: {  	[tilespmem:v25+s30+$0x6800 ss:$0x1] =	vst.idx.msk $0xffff, v39  }
0x158: {  	[tilespmem:v25+s30+$0x1C00 ss:$0x1] =	vst.idx.msk $0xffff, v33  }
0x159: {  	[tilespmem:v25+s30+$0x3800 ss:$0x1] =	vst.idx.msk $0xffff, v33  }
0x15a: {  	[tilespmem:v25+s30+$0x5400 ss:$0x1] =	vst.idx.msk $0xffff, v31  }
0x15b: {  	v27 =	vadd.f32 v32, v32;
	v28 =	vadd.f32 v32, v31;
	[tilespmem:v25+s30+$0x7000 ss:$0x1] =	vst.idx.msk $0xffff, v31  }
0x15c: {  	v29 =	vadd.f32 v33, v33;
	v30 =	vadd.f32 v31, v33;
	[tilespmem:v25+s30+$0x8C00 ss:$0x1] =	vst.idx.msk $0xffff, v32  }
0x15d: {  	v41 =	vadd.f32 v34, v33;
	v42 =	vadd.f32 v31, v34;
	[tilespmem:v25+s30+$0xA800 ss:$0x1] =	vst.idx.msk $0xffff, v32  }
0x15e: {  	v43 =	vadd.f32 v35, v31;
	v44 =	vadd.f32 v32, v35;
	[tilespmem:v25+s30+$0x2400 ss:$0x1] =	vst.idx.msk $0xffff, v33  }
0x15f: {  	v45 =	vadd.f32 v39, v34;
	v36 =	vadd.f32 v39, v35;
	[tilespmem:v25+s30+$0xB000 ss:$0x1] =	vst.idx.msk $0xffff, v32  }
0x160: {  	v41 =	vmul.f32 v41, v10;
	v31 =	vadd.f32 v34, v34;
	[tilespmem:v25+s30+$0x4800 ss:$0x1] =	vst.idx.msk $0xffff, v34  }
0x161: {  	v33 =	vadd.f32 v35, v34;
	v32 =	vadd.f32 v38, v39;
	[tilespmem:v25+s30+$0x9C00 ss:$0x1] =	vst.idx.msk $0xffff, v35  }
0x162: {  	v38 =	vmul.f32 v42, v11;
	v34 =	vadd.f32 v39, v37;
	[tilespmem:v25+s30+$0x6C00 ss:$0x1] =	vst.idx.msk $0xffff, v39  }
0x163: {  	v37 =	vmul.f32 v45, v14;
	v35 =	vadd.f32 v40, v35;
	[tilespmem:v25+s30+$0x8800 ss:$0x1] =	vst.idx.msk $0xffff, v39  }
0x164: {  	s0 =	simm.s32 $0x40;
	v40 =	vmul.f32 v44, v13;
	v39 =	vmul.f32 v43, v12;
	[tilespmem:v25+s30+$0x4000 ss:$0x1] =	vst.idx.msk $0xffff, v41  }
.LBB2_8:
0x165: {  	p0 =	sne.s32 s0, $0x1C0;
	[tilespmem:v25+s30+$0x5C00 ss:$0x1] =	vst.idx.msk $0xffff, v38;
	s31 =	smov.u32 s0;
	s0 =	sadd.s32 $0x40, s0  }
0x166: {  	v36 =	vmul.f32 v36, v15;
	[tilespmem:v25+s30+$0x7800 ss:$0x1] =	vst.idx.msk $0xffff, v39  }
0x167: {  	v28 =	vmul.f32 v28, v18;
	[tilespmem:v25+s30+$0x9400 ss:$0x1] =	vst.idx.msk $0xffff, v40  }
0x168: {  	v29 =	vmul.f32 v29, v16;
	v30 =	vmul.f32 v30, v17;
	[tilespmem:v25+s30+$0x6400 ss:$0x1] =	vst.idx.msk $0xffff, v37  }
0x169: {  	[tilespmem:v25+s30+$0x8000 ss:$0x1] =	vst.idx.msk $0xffff, v36  }
0x16a: {  	v27 =	vmul.f32 v27, v19;
	[tilespmem:v25+s30+$0x400 ss:$0x1] =	vst.idx.msk $0xffff, v29;
	v29 =	vmul.f32 v33, v21  }
0x16b: {  	[tilespmem:v25+s30+$0x3C00 ss:$0x1] =	vst.idx.msk $0xffff, v30;
	v30 =	vmul.f32 v31, v20;
	v31 =	vmul.f32 v35, v22  }
0x16c: {  	[tilespmem:v25+s30+$0x7400 ss:$0x1] =	vst.idx.msk $0xffff, v28;
	v28 =	vmul.f32 v34, v23  }
0x16d: {  	[tilespmem:v25+s30+$0xAC00 ss:$0x1] =	vst.idx.msk $0xffff, v27;
	v27 =	vmul.f32 v32, v24  }
0x16e: {  	[tilespmem:v25+s30+$0x2800 ss:$0x1] =	vst.idx.msk $0xffff, v30  }
0x16f: {  	[tilespmem:v25+s30+$0x6000 ss:$0x1] =	vst.idx.msk $0xffff, v29  }
0x170: {  	[tilespmem:v25+s30+$0x9800 ss:$0x1] =	vst.idx.msk $0xffff, v31  }
0x171: {  	[tilespmem:v25+s30+$0x4C00 ss:$0x1] =	vst.idx.msk $0xffff, v28  }
0x172: {  	[tilespmem:v25+s30+$0x8400 ss:$0x1] =	vst.idx.msk $0xffff, v27;
	s30 =	sshra.s32 s31, $0x2  }
0x173: {  	v40 =	vld.idx.msk [tilespmem:v26+s30+$0x800 ss:$0x1], $0xffff  }
0x174: {  	v41 =	vld.idx.msk [tilespmem:v26+s30+$0xFFFFFC00 ss:$0x1], $0xffff  }
0x175: {  	v42 =	vld.idx.msk [tilespmem:v26+s30+$0xFFFFF000 ss:$0x1], $0xffff  }
0x176: {  	v43 =	vld.idx.msk [tilespmem:v26+s30+$0xFFFFF400 ss:$0x1], $0xffff  }
0x177: {  	v44 =	vld.idx.msk [tilespmem:v26+s30+$0x0 ss:$0x1], $0xffff  }
0x178: {  	v32 =	vld.idx.msk [tilespmem:v26+s30+$0xFFFFF800 ss:$0x1], $0xffff  }
0x179: {  	v27 =	vadd.f32 v40, v40;
	v45 =	vld.idx.msk [tilespmem:v26+s30+$0x400 ss:$0x1], $0xffff  }
0x17a: {  	v28 =	vadd.f32 v40, v41;
	v35 =	vld.idx.msk [tilespmem:v26+s30+$0x1000 ss:$0x1], $0xffff  }
0x17b: {  	v29 =	vadd.f32 v42, v42;
	v30 =	vadd.f32 v41, v42;
	v38 =	vld.idx.msk [tilespmem:v26+s30+$0xC00 ss:$0x1], $0xffff  }
0x17c: {  	v46 =	vadd.f32 v43, v42;
	v39 =	vadd.f32 v41, v43;
	[tilespmem:v25+s30+$0x2000 ss:$0x1] =	vst.idx.msk $0xffff, v42  }
0x17d: {  	v47 =	vadd.f32 v44, v41;
	v48 =	vadd.f32 v40, v44;
	[tilespmem:v25+s30+$0x5800 ss:$0x1] =	vst.idx.msk $0xffff, v41  }
0x17e: {  	v31 =	vadd.f32 v43, v43;
	v33 =	vadd.f32 v44, v43;
	[tilespmem:v25+s30+$0x9000 ss:$0x1] =	vst.idx.msk $0xffff, v40  }
0x17f: {  	v37 =	vadd.f32 v45, v43;
	v36 =	vadd.f32 v45, v44;
	[tilespmem:v25+s30+$0x4400 ss:$0x1] =	vst.idx.msk $0xffff, v43  }
0x180: {  	v34 =	vadd.f32 v45, v32;
	v32 =	vadd.f32 v35, v45;
	[tilespmem:v25+s30+$0x7C00 ss:$0x1] =	vst.idx.msk $0xffff, v44  }
0x181: {  	v37 =	vmul.f32 v37, v14;
	v35 =	vadd.f32 v38, v44;
	[tilespmem:v25+s30+$0x6800 ss:$0x1] =	vst.idx.msk $0xffff, v45  }
0x182: {  	v38 =	vmul.f32 v39, v11;
	[tilespmem:v25+s30+$0x1C00 ss:$0x1] =	vst.idx.msk $0xffff, v42  }
0x183: {  	v39 =	vmul.f32 v47, v12;
	[tilespmem:v25+s30+$0x3800 ss:$0x1] =	vst.idx.msk $0xffff, v42  }
0x184: {  	[tilespmem:v25+s30+$0x5400 ss:$0x1] =	vst.idx.msk $0xffff, v41  }
0x185: {  	[tilespmem:v25+s30+$0x7000 ss:$0x1] =	vst.idx.msk $0xffff, v41  }
0x186: {  	[tilespmem:v25+s30+$0x8C00 ss:$0x1] =	vst.idx.msk $0xffff, v40  }
0x187: {  	[tilespmem:v25+s30+$0xA800 ss:$0x1] =	vst.idx.msk $0xffff, v40  }
0x188: {  	[tilespmem:v25+s30+$0x2400 ss:$0x1] =	vst.idx.msk $0xffff, v42  }
0x189: {  	[tilespmem:v25+s30+$0xB000 ss:$0x1] =	vst.idx.msk $0xffff, v40  }
.Ltmp2:
0x18a: {  	[tilespmem:v25+s30+$0x4800 ss:$0x1] =	vst.idx.msk $0xffff, v43;
	(pc) =	sbr.rel @p0 .LBB2_8-.Ltmp2, $4  }
0x18b: {  	v40 =	vmul.f32 v46, v10;
	[tilespmem:v25+s30+$0x9C00 ss:$0x1] =	vst.idx.msk $0xffff, v44  }
0x18c: {  	[tilespmem:v25+s30+$0x6C00 ss:$0x1] =	vst.idx.msk $0xffff, v45  }
0x18d: {  	[tilespmem:v25+s30+$0x8800 ss:$0x1] =	vst.idx.msk $0xffff, v45  }
0x18e: {  	[tilespmem:v25+s30+$0x4000 ss:$0x1] =	vst.idx.msk $0xffff, v40;
	v40 =	vmul.f32 v48, v13  }
0x18f: {  	_ =	sdelay $0x3  }
0x190: {  	[tilespmem:v25+s30+$0x5C00 ss:$0x1] =	vst.idx.msk $0xffff, v38  }
0x191: {  	[tilespmem:v25+s30+$0x7800 ss:$0x1] =	vst.idx.msk $0xffff, v39  }
0x192: {  	v26 =	vmul.f32 v36, v15;
	[tilespmem:v25+s30+$0x9400 ss:$0x1] =	vst.idx.msk $0xffff, v40  }
0x193: {  	v29 =	vmul.f32 v29, v16;
	[tilespmem:v25+s30+$0x6400 ss:$0x1] =	vst.idx.msk $0xffff, v37  }
0x194: {  	v30 =	vmul.f32 v30, v17;
	[tilespmem:v25+s30+$0x8000 ss:$0x1] =	vst.idx.msk $0xffff, v26  }
0x195: {  	v26 =	vmul.f32 v28, v18;
	[tilespmem:v25+s30+$0x400 ss:$0x1] =	vst.idx.msk $0xffff, v29  }
0x196: {  	v27 =	vmul.f32 v27, v19;
	[tilespmem:v25+s30+$0x3C00 ss:$0x1] =	vst.idx.msk $0xffff, v30  }
0x197: {  	v62 =	vmul.f32 v31, v20;
	s29 =	sadd.s32 $0x1, s29;
	[tilespmem:v25+s30+$0x7400 ss:$0x1] =	vst.idx.msk $0xffff, v26  }
0x198: {  	p0 =	sne.s32 s29, $0x8;
	v26 =	vmul.f32 v33, v21;
	[tilespmem:v25+s30+$0xAC00 ss:$0x1] =	vst.idx.msk $0xffff, v27  }
.Ltmp3:
0x199: {  	v27 =	vmul.f32 v35, v22;
	[tilespmem:v25+s30+$0x2800 ss:$0x1] =	vst.idx.msk $0xffff, v62;
	(pc) =	sbr.rel @p0 .LBB2_7-.Ltmp3, $4  }
0x19a: {  	v63 =	vmul.f32 v34, v23;
	[tilespmem:v25+s30+$0x6000 ss:$0x1] =	vst.idx.msk $0xffff, v26  }
0x19b: {  	v26 =	vmul.f32 v32, v24;
	[tilespmem:v25+s30+$0x9800 ss:$0x1] =	vst.idx.msk $0xffff, v27  }
0x19c: {  	[tilespmem:v25+s30+$0x4C00 ss:$0x1] =	vst.idx.msk $0xffff, v63  }
0x19d: {  	s26 =	sadd.s32 $0x80, s26;
	s28 =	sadd.s32 $0x80, s28;
	[tilespmem:v25+s30+$0x8400 ss:$0x1] =	vst.idx.msk $0xffff, v26  }
0x19e: {  	p0 =	seq.s32 s25, $0xF  }
0x19f: {  	s31 =	sadd.s32 s9, s25;
	s0 =	sshll.u32 @!p0 s25, $0x8;
	s26 =	simm.s32 @!p0 $0x400  }
0x1a0: {  	s28 =	simm.s32 @!p0 $0x100000;
	s29 =	simm.s32 @!p0 $0x0;
	s0 =	sadd.s32 @!p0 s0, s8  }
0x1a1: {  	[tilespmem:s29], [sflag:$0x1] =	stream.strided.gather @!p0 [hbm4b:s0+s26], $0x2400, s28, s26, $0x38;
	[tilespmem:$0x1F400] =	vst v63  }
0x1a2: {  	s26 =	sshll.u32 s31, $0x8  }
0x1a3: {  	s0 =	sadd.s32 s3, s26  }
0x1a4: {  	[hbm4b:s0+s13] =	stream.strided.scatter [tilespmem:s19], [sflag:$0x3], $0xC400, s14, s13, $0x38;
	[tilespmem:$0x1F400] =	vst v63  }
0x1a5: {  	_ =	swait.ge [sflag:s20], $0x2400  }
0x1a6: {  	[sflag:s20] =	ssyncset.done $0x0  }
0x1a7: {  	s0 =	simm.s32 @!p1 $0x4;
	[sflag:s20] =	ssyncadd.s32 $0xFFFFDC00  }
0x1a8: {  	_ =	swait.ge @!p1 [sflag:s0], $0xC400  }
0x1a9: {  	s30 =	simm.s32 $0x0;
	[sflag:s0] =	ssyncset.done @!p1 $0x0  }
0x1aa: {  	s28 =	simm.s32 $0x0;
	s29 =	simm.s32 $0x4800;
	[sflag:s0] =	ssyncadd.s32 @!p1 $0xFFFF3C00  }
.LBB2_11:
0x1ab: {  	v26 =	vmov s28;
	_ =	sdelay $0x3  }
0x1ac: {  	s31 =	simm.s32 $0x0  }
0x1ad: {  	v44 =	vld.idx.msk [tilespmem:v26+s31+$0x2800 ss:$0x1], $0xffff  }
0x1ae: {  	v35 =	vld.idx.msk [tilespmem:v26+s31+$0x3C00 ss:$0x1], $0xffff  }
0x1af: {  	v36 =	vld.idx.msk [tilespmem:v26+s31+$0x2400 ss:$0x1], $0xffff  }
0x1b0: {  	v25 =	vmov s29;
	v41 =	vld.idx.msk [tilespmem:v26+s31+$0x3000 ss:$0x1], $0xffff  }
0x1b1: {  	v29 =	vld.idx.msk [tilespmem:v26+s31+$0x2C00 ss:$0x1], $0xffff  }
0x1b2: {  	v32 =	vld.idx.msk [tilespmem:v26+s31+$0x3800 ss:$0x1], $0xffff  }
0x1b3: {  	v45 =	vld.idx.msk [tilespmem:v26+s31+$0x4000 ss:$0x1], $0xffff  }
0x1b4: {  	v30 =	vld.idx.msk [tilespmem:v26+s31+$0x4400 ss:$0x1], $0xffff  }
0x1b5: {  	v37 =	vld.idx.msk [tilespmem:v26+s31+$0x3400 ss:$0x1], $0xffff;
	[tilespmem:v25+s31+$0x11C00 ss:$0x1] =	vst.idx.msk $0xffff, v41  }
0x1b6: {  	[tilespmem:v25+s31+$0xE400 ss:$0x1] =	vst.idx.msk $0xffff, v36  }
0x1b7: {  	[tilespmem:v25+s31+$0x15400 ss:$0x1] =	vst.idx.msk $0xffff, v35  }
0x1b8: {  	[tilespmem:v25+s31+$0x10800 ss:$0x1] =	vst.idx.msk $0xffff, v44  }
0x1b9: {  	[tilespmem:v25+s31+$0x12C00 ss:$0x1] =	vst.idx.msk $0xffff, v32  }
0x1ba: {  	[tilespmem:v25+s31+$0x14000 ss:$0x1] =	vst.idx.msk $0xffff, v37  }
0x1bb: {  	[tilespmem:v25+s31+$0xE000 ss:$0x1] =	vst.idx.msk $0xffff, v36  }
0x1bc: {  	v27 =	vadd.f32 v44, v44;
	[tilespmem:v25+s31+$0xFC00 ss:$0x1] =	vst.idx.msk $0xffff, v36  }
0x1bd: {  	v28 =	vadd.f32 v35, v35;
	v39 =	vadd.f32 v44, v36;
	[tilespmem:v25+s31+$0x11800 ss:$0x1] =	vst.idx.msk $0xffff, v41  }
0x1be: {  	v31 =	vadd.f32 v36, v36;
	v40 =	vadd.f32 v41, v44;
	[tilespmem:v25+s31+$0x13400 ss:$0x1] =	vst.idx.msk $0xffff, v41  }
0x1bf: {  	v33 =	vadd.f32 v41, v36;
	v34 =	vadd.f32 v35, v41;
	[tilespmem:v25+s31+$0x15000 ss:$0x1] =	vst.idx.msk $0xffff, v35  }
0x1c0: {  	v38 =	vadd.f32 v32, v44;
	v29 =	vadd.f32 v32, v29;
	[tilespmem:v25+s31+$0x16C00 ss:$0x1] =	vst.idx.msk $0xffff, v35  }
0x1c1: {  	v30 =	vadd.f32 v30, v32;
	v43 =	vadd.f32 v37, v41;
	[tilespmem:v25+s31+$0xE800 ss:$0x1] =	vst.idx.msk $0xffff, v36  }
0x1c2: {  	v42 =	vadd.f32 v35, v37;
	v41 =	vadd.f32 v32, v37;
	[tilespmem:v25+s31+$0x17400 ss:$0x1] =	vst.idx.msk $0xffff, v35  }
0x1c3: {  	s0 =	simm.s32 $0x40;
	v36 =	vadd.f32 v37, v44;
	v35 =	vadd.f32 v45, v37;
	[tilespmem:v25+s31+$0x10C00 ss:$0x1] =	vst.idx.msk $0xffff, v44  }
.LBB2_12:
0x1c4: {  	p1 =	sne.s32 s0, $0x1C0;
	[tilespmem:v25+s31+$0x16000 ss:$0x1] =	vst.idx.msk $0xffff, v37;
	s1 =	smov.u32 s0;
	s0 =	sadd.s32 $0x40, s0  }
0x1c5: {  	v37 =	vmul.f32 v39, v10;
	[tilespmem:v25+s31+$0x13000 ss:$0x1] =	vst.idx.msk $0xffff, v32  }
0x1c6: {  	[tilespmem:v25+s31+$0x14C00 ss:$0x1] =	vst.idx.msk $0xffff, v32;
	v32 =	vmul.f32 v40, v11  }
0x1c7: {  	[tilespmem:v25+s31+$0x10400 ss:$0x1] =	vst.idx.msk $0xffff, v37;
	v37 =	vmul.f32 v43, v12  }
0x1c8: {  	[tilespmem:v25+s31+$0x12000 ss:$0x1] =	vst.idx.msk $0xffff, v32;
	v32 =	vmul.f32 v42, v13  }
0x1c9: {  	[tilespmem:v25+s31+$0x13C00 ss:$0x1] =	vst.idx.msk $0xffff, v37;
	v37 =	vmul.f32 v38, v14  }
0x1ca: {  	[tilespmem:v25+s31+$0x15800 ss:$0x1] =	vst.idx.msk $0xffff, v32;
	v32 =	vmul.f32 v41, v15  }
0x1cb: {  	v31 =	vmul.f32 v31, v16;
	[tilespmem:v25+s31+$0x12800 ss:$0x1] =	vst.idx.msk $0xffff, v37  }
0x1cc: {  	[tilespmem:v25+s31+$0x14400 ss:$0x1] =	vst.idx.msk $0xffff, v32;
	v32 =	vmul.f32 v33, v17;
	v33 =	vmul.f32 v34, v18  }
0x1cd: {  	v28 =	vmul.f32 v28, v19;
	[tilespmem:v25+s31+$0xC800 ss:$0x1] =	vst.idx.msk $0xffff, v31  }
0x1ce: {  	v27 =	vmul.f32 v27, v20;
	[tilespmem:v25+s31+$0x10000 ss:$0x1] =	vst.idx.msk $0xffff, v32  }
0x1cf: {  	v31 =	vmul.f32 v36, v21;
	[tilespmem:v25+s31+$0x13800 ss:$0x1] =	vst.idx.msk $0xffff, v33  }
0x1d0: {  	[tilespmem:v25+s31+$0x17000 ss:$0x1] =	vst.idx.msk $0xffff, v28;
	v28 =	vmul.f32 v35, v22  }
0x1d1: {  	[tilespmem:v25+s31+$0xEC00 ss:$0x1] =	vst.idx.msk $0xffff, v27;
	v27 =	vmul.f32 v29, v23  }
0x1d2: {  	v29 =	vmul.f32 v30, v24;
	[tilespmem:v25+s31+$0x12400 ss:$0x1] =	vst.idx.msk $0xffff, v31  }
0x1d3: {  	[tilespmem:v25+s31+$0x15C00 ss:$0x1] =	vst.idx.msk $0xffff, v28  }
0x1d4: {  	s1 =	sshra.s32 s1, $0x2;
	[tilespmem:v25+s31+$0x11000 ss:$0x1] =	vst.idx.msk $0xffff, v27  }
0x1d5: {  	[tilespmem:v25+s31+$0x14800 ss:$0x1] =	vst.idx.msk $0xffff, v29;
	s31 =	smov.u32 s1  }
0x1d6: {  	v44 =	vld.idx.msk [tilespmem:v26+s31+$0x2800 ss:$0x1], $0xffff  }
0x1d7: {  	v45 =	vld.idx.msk [tilespmem:v26+s31+$0x3C00 ss:$0x1], $0xffff  }
0x1d8: {  	v46 =	vld.idx.msk [tilespmem:v26+s31+$0x2400 ss:$0x1], $0xffff  }
0x1d9: {  	v47 =	vld.idx.msk [tilespmem:v26+s31+$0x3000 ss:$0x1], $0xffff  }
0x1da: {  	v29 =	vld.idx.msk [tilespmem:v26+s31+$0x2C00 ss:$0x1], $0xffff  }
0x1db: {  	v32 =	vld.idx.msk [tilespmem:v26+s31+$0x3800 ss:$0x1], $0xffff  }
0x1dc: {  	v27 =	vadd.f32 v44, v44;
	v35 =	vld.idx.msk [tilespmem:v26+s31+$0x4000 ss:$0x1], $0xffff  }
0x1dd: {  	v28 =	vadd.f32 v45, v45;
	v30 =	vld.idx.msk [tilespmem:v26+s31+$0x4400 ss:$0x1], $0xffff  }
0x1de: {  	v39 =	vadd.f32 v44, v46;
	v31 =	vadd.f32 v46, v46;
	v37 =	vld.idx.msk [tilespmem:v26+s31+$0x3400 ss:$0x1], $0xffff  }
0x1df: {  	v40 =	vadd.f32 v47, v44;
	v33 =	vadd.f32 v47, v46;
	[tilespmem:v25+s31+$0x11C00 ss:$0x1] =	vst.idx.msk $0xffff, v47  }
0x1e0: {  	v34 =	vadd.f32 v45, v47;
	[tilespmem:v25+s31+$0xE400 ss:$0x1] =	vst.idx.msk $0xffff, v46  }
0x1e1: {  	v38 =	vadd.f32 v32, v44;
	v29 =	vadd.f32 v32, v29;
	[tilespmem:v25+s31+$0x15400 ss:$0x1] =	vst.idx.msk $0xffff, v45  }
0x1e2: {  	[tilespmem:v25+s31+$0x10800 ss:$0x1] =	vst.idx.msk $0xffff, v44  }
0x1e3: {  	v30 =	vadd.f32 v30, v32;
	[tilespmem:v25+s31+$0x12C00 ss:$0x1] =	vst.idx.msk $0xffff, v32  }
0x1e4: {  	v43 =	vadd.f32 v37, v47;
	v42 =	vadd.f32 v45, v37;
	[tilespmem:v25+s31+$0x14000 ss:$0x1] =	vst.idx.msk $0xffff, v37  }
0x1e5: {  	v41 =	vadd.f32 v32, v37;
	v36 =	vadd.f32 v37, v44;
	[tilespmem:v25+s31+$0xE000 ss:$0x1] =	vst.idx.msk $0xffff, v46  }
0x1e6: {  	v35 =	vadd.f32 v35, v37;
	[tilespmem:v25+s31+$0xFC00 ss:$0x1] =	vst.idx.msk $0xffff, v46  }
0x1e7: {  	[tilespmem:v25+s31+$0x11800 ss:$0x1] =	vst.idx.msk $0xffff, v47  }
0x1e8: {  	[tilespmem:v25+s31+$0x13400 ss:$0x1] =	vst.idx.msk $0xffff, v47  }
.Ltmp4:
0x1e9: {  	[tilespmem:v25+s31+$0x15000 ss:$0x1] =	vst.idx.msk $0xffff, v45;
	(pc) =	sbr.rel @p1 .LBB2_12-.Ltmp4, $4  }
0x1ea: {  	[tilespmem:v25+s31+$0x16C00 ss:$0x1] =	vst.idx.msk $0xffff, v45  }
0x1eb: {  	[tilespmem:v25+s31+$0xE800 ss:$0x1] =	vst.idx.msk $0xffff, v46  }
0x1ec: {  	[tilespmem:v25+s31+$0x17400 ss:$0x1] =	vst.idx.msk $0xffff, v45  }
0x1ed: {  	[tilespmem:v25+s31+$0x10C00 ss:$0x1] =	vst.idx.msk $0xffff, v44  }
0x1ee: {  	_ =	sdelay $0x3  }
0x1ef: {  	[tilespmem:v25+s31+$0x16000 ss:$0x1] =	vst.idx.msk $0xffff, v37  }
0x1f0: {  	v26 =	vmul.f32 v39, v10;
	[tilespmem:v25+s31+$0x13000 ss:$0x1] =	vst.idx.msk $0xffff, v32  }
0x1f1: {  	v57 =	vmul.f32 v40, v11;
	[tilespmem:v25+s31+$0x14C00 ss:$0x1] =	vst.idx.msk $0xffff, v32  }
0x1f2: {  	v58 =	vmul.f32 v42, v13;
	[tilespmem:v25+s31+$0x10400 ss:$0x1] =	vst.idx.msk $0xffff, v26  }
0x1f3: {  	v26 =	vmul.f32 v43, v12;
	[tilespmem:v25+s31+$0x12000 ss:$0x1] =	vst.idx.msk $0xffff, v57  }
0x1f4: {  	v59 =	vmul.f32 v41, v15;
	[tilespmem:v25+s31+$0x15800 ss:$0x1] =	vst.idx.msk $0xffff, v58  }
0x1f5: {  	[tilespmem:v25+s31+$0x13C00 ss:$0x1] =	vst.idx.msk $0xffff, v26;
	v26 =	vmul.f32 v38, v14  }
0x1f6: {  	v60 =	vmul.f32 v33, v17;
	[tilespmem:v25+s31+$0x14400 ss:$0x1] =	vst.idx.msk $0xffff, v59  }
0x1f7: {  	[tilespmem:v25+s31+$0x12800 ss:$0x1] =	vst.idx.msk $0xffff, v26;
	v26 =	vmul.f32 v31, v16  }
0x1f8: {  	v61 =	vmul.f32 v34, v18;
	[tilespmem:v25+s31+$0x10000 ss:$0x1] =	vst.idx.msk $0xffff, v60  }
0x1f9: {  	[tilespmem:v25+s31+$0xC800 ss:$0x1] =	vst.idx.msk $0xffff, v26;
	v26 =	vmul.f32 v28, v19  }
0x1fa: {  	v27 =	vmul.f32 v27, v20;
	s30 =	sadd.s32 $0x1, s30;
	[tilespmem:v25+s31+$0x13800 ss:$0x1] =	vst.idx.msk $0xffff, v61  }
0x1fb: {  	v62 =	vmul.f32 v36, v21;
	p1 =	sne.s32 s30, $0x8;
	[tilespmem:v25+s31+$0x17000 ss:$0x1] =	vst.idx.msk $0xffff, v26  }
.Ltmp5:
0x1fc: {  	v26 =	vmul.f32 v35, v22;
	[tilespmem:v25+s31+$0xEC00 ss:$0x1] =	vst.idx.msk $0xffff, v27;
	(pc) =	sbr.rel @p1 .LBB2_11-.Ltmp5, $4  }
0x1fd: {  	v27 =	vmul.f32 v29, v23;
	[tilespmem:v25+s31+$0x12400 ss:$0x1] =	vst.idx.msk $0xffff, v62  }
0x1fe: {  	v63 =	vmul.f32 v30, v24;
	[tilespmem:v25+s31+$0x15C00 ss:$0x1] =	vst.idx.msk $0xffff, v26  }
0x1ff: {  	[tilespmem:v25+s31+$0x11000 ss:$0x1] =	vst.idx.msk $0xffff, v27  }
0x200: {  	s29 =	sadd.s32 $0x80, s29;
	s28 =	sadd.s32 $0x80, s28;
	[tilespmem:v25+s31+$0x14800 ss:$0x1] =	vst.idx.msk $0xffff, v63  }
0x201: {  	s0 =	sadd.s32 @!p0 s25, s10  }
0x202: {  	s1 =	simm.s32 @!p0 $0x400;
	s28 =	simm.s32 @!p0 $0x100000;
	s0 =	sshll.u32 @!p0 s0, $0x8  }
0x203: {  	s29 =	simm.s32 @!p0 $0x2400;
	s25 =	sadd.s32 $0x1, s25;
	s0 =	sadd.s32 @!p0 s0, s6  }
0x204: {  	[tilespmem:s29], [sflag:$0x2] =	stream.strided.gather @!p0 [hbm4b:s0+s1], $0x2400, s28, s1, $0x38;
	[tilespmem:$0x1F400] =	vst v63  }
0x205: {  	p0 =	sne.s32 s25, $0x10  }
.Ltmp6:
0x206: {  	_ = 	snop;
	(pc) =	sbr.rel @p0 .LBB2_6-.Ltmp6, $3  }
0x207: {  	_ =	sdelay $0x1  }
0x208: {  	s31 =	sadd.s32 s26, s11  }
0x209: {  	[hbm4b:s31+s13] =	stream.strided.scatter [tilespmem:s21], [sflag:$0x4], $0xC400, s14, s13, $0x38;
	[tilespmem:$0x1F400] =	vst v63  }
0x20a: {  	s24 =	sadd.s32 $0x1, s24  }
0x20b: {  	_ =	swait.ge [sflag:s22], $0xC400;
	p0 =	sne.s32 s24, s12  }
.Ltmp7:
0x20c: {  	[sflag:s22] =	ssyncset.done $0x0;
	(pc) =	sbr.rel @p0 .LBB2_1-.Ltmp7, $4  }
0x20d: {  	[sflag:s22] =	ssyncadd.s32 $0xFFFF3C00  }
0x20e: {  	_ =	swait.ge [sflag:s23], $0xC400  }
0x20f: {  	[sflag:s23] =	ssyncset.done $0x0  }
0x210: {  	[sflag:s23] =	ssyncadd.s32 $0xFFFF3C00  }
0x211: {  	_ =	sfence.sel $0x180000  }
0x212: {  	[bflag:$0x0] =	sbarrier.arrive $0xFFFF  }
0x213: {  	_ =	strace $0x90000047  }
0x214: {  	s0 =	stileid.u32;
	[bflag:$0x2] =	sbarrier.arrive $0xFFFF  }
0x215: {  	p0 =	sne.s32 s0, $0x0;
	s0 =	rddreg [dreg:$0x2]  }
0x216: {  	s0 =	sadd.s32 @!p0 $0x100000, s0  }
0x217: {  	[sflag:s0] =	ssyncadd.tile.s32 @!p0 $0x1;
	_ =	shalt  }
.Lfunc_end2:
_tile_overlayer_lowered:
.L_overlay_start_2:
0x218: {  	(tag) =	ssettag $0x2  }
0x219: {  	s0 =	rddreg [dreg:$0x0];
	s2 =	stileid.u32  }
0x21a: {  	s1 =	rddreg [dreg:$0x1];
	p0 =	sne.s32 s2, $0x0  }
0x21b: {  	s3 =	rddreg [dreg:$0x2];
	[bflag:$0x3] =	sbarrier.arrive $0xFFFF;
	s2 =	simm.s32 @!p0 $0x1C06  }
0x21c: {  	[timem:s3], [sflag:s2] =	dma.local @!p0 [hbm:s0], s1  }
0x21d: {  	s0 =	simm.s32 @!p0 $0x6  }
0x21e: {  	_ =	swait.ge @!p0 [sflag:s0], s1  }
0x21f: {  	s1 =	ssub.s32 @!p0 $0x0, s1;
	[sflag:s0] =	ssyncset.done @!p0 $0x0  }
0x220: {  	[sflag:s0] =	ssyncadd.s32 @!p0 s1  }
0x221: {  	[bflag:$0x3] =	sbarrier.arrive $0xFFFF  }
0x222: {  	_ =	shalt  }

</sc_bundles>
